<compile_context>
chip_gen: v7x
topology: tpu7x:2x2x1
jax: 0.10.2.dev20260603
libtpu: 0.0.44.dev20260713+nightly
codegen_flags: <defaults>
</compile_context>

<pallas_src>
import functools

import jax
import jax.numpy as jnp
from jax import lax
from jax.experimental import pallas as pl
from jax.experimental.pallas import tpu as pltpu
from jax.experimental.pallas import tpu_sc as plsc

_D = 64
_BT = 128
_NBUF = 4
_NC = 2
_NS = 16
_NW = _NC * _NS
_L = 16
_WK1 = 4096
_GK1 = 245
_VROWS = _GK1 * _WK1
_ZROW = 1000000


def _k1_body(tin_ref, tout_ref):
    blk = tin_ref[...]
    r0 = pl.program_id(0) * _WK1
    cols = jax.lax.broadcasted_iota(jnp.int32, (_D, _WK1), 1) + r0
    bm = jnp.where(cols < _ZROW, blk, 0.0)
    lo = jax.lax.slice(bm, (0, 0), (_D, _WK1 // 2))
    hi = jax.lax.slice(bm, (0, _WK1 // 2), (_D, _WK1))
    tout_ref[...] = jnp.concatenate([lo.T, hi.T], axis=1)


def _table_rowmajor(tT):
    return pl.pallas_call(
        _k1_body,
        grid=(_GK1,),
        in_specs=[pl.BlockSpec((_D, _WK1), lambda i: (0, i))],
        out_specs=pl.BlockSpec((_WK1 // 2, 128), lambda i: (i, 0)),
        out_shape=jax.ShapeDtypeStruct((_VROWS // 2, 128), jnp.float32),
        compiler_params=pltpu.CompilerParams(
            dimension_semantics=("parallel",)),
    )(tT)


def _k2_body(xT_hbm, tbl_hbm, out_hbm, idx_all, *rest, hist):
    pbufs = rest[:_NBUF]
    tbufs = rest[_NBUF:2 * _NBUF]
    gsems = rest[2 * _NBUF:3 * _NBUF]
    ssems = rest[3 * _NBUF:4 * _NBUF]

    wid = lax.axis_index("s") * _NC + lax.axis_index("c")

    pltpu.sync_copy(xT_hbm.at[:, pl.ds(wid * _BT, _BT)], idx_all)

    def remap(h, carry):
        for k in range(_BT // _L):
            iv = idx_all[h, pl.ds(k * _L, _L)]
            iv = jnp.where(iv == 0, _ZROW, iv)
            lo = iv & (_WK1 - 1)
            pos = jnp.where(lo < _WK1 // 2,
                            lo * 2, (lo - _WK1 // 2) * 2 + 1)
            idx_all[h, pl.ds(k * _L, _L)] = (iv - lo) + pos
        return carry

    lax.fori_loop(0, hist, remap, 0)

    def fire_gather(b, h):
        pltpu.async_copy(tbl_hbm.at[idx_all.at[h]], pbufs[b], gsems[b])

    def wait_gather(b, h):
        pltpu.make_async_copy(tbl_hbm.at[idx_all.at[h]], pbufs[b],
                              gsems[b]).wait()

    def fire_store(b, h):
        pltpu.async_copy(tbufs[b], out_hbm.at[h, :, wid], ssems[b])

    def wait_store(b, h):
        pltpu.make_async_copy(tbufs[b], out_hbm.at[h, :, wid],
                              ssems[b]).wait()

    base = lax.iota(jnp.int32, _L)
    rowvecs = [base + k * _L for k in range(_BT // _L)]

    def transpose(b):
        pbuf, tbuf = pbufs[b], tbufs[b]

        def dloop(d0, carry):
            colv = (base + d0) & 63
            dtv = colv >> 3
            dsv = colv & 7
            for k in range(_BT // _L):
                v = plsc.load_gather(pbuf, [rowvecs[k], colv])
                plsc.store_scatter(tbuf, [dtv, dsv, rowvecs[k]], v)
            return carry

        lax.fori_loop(0, _D, dloop, 0)

    for b in range(_NBUF):
        fire_gather(b, b)

    def outer(i, carry):
        for b in range(_NBUF):
            h = i * _NBUF + b
            wait_gather(b, h)
            transpose(b)
            fire_store(b, h)

            @pl.when(h + _NBUF < hist)
            def _():
                wait_store(b, h)
                fire_gather(b, h + _NBUF)
        return carry

    lax.fori_loop(0, hist // _NBUF, outer, 0)

    for b in range(_NBUF):
        wait_store(b, hist - _NBUF + b)


def kernel(X, table):
    batch, hist = X.shape
    n_bt = batch // _BT

    tT = table.T
    tbl = _table_rowmajor(tT).reshape(_VROWS, _D)
    xT = X.T

    mesh = plsc.VectorSubcoreMesh(core_axis_name="c", subcore_axis_name="s",
                                  num_cores=_NC, num_subcores=_NS)
    scratch = (
        [pltpu.VMEM((hist, _BT), jnp.int32)]
        + [pltpu.VMEM((_BT, _D), jnp.float32)] * _NBUF
        + [pltpu.VMEM((8, 8, _BT), jnp.float32)] * _NBUF
        + [pltpu.SemaphoreType.DMA] * (2 * _NBUF)
    )
    out5 = pl.kernel(
        functools.partial(_k2_body, hist=hist),
        out_type=jax.ShapeDtypeStruct((hist, 8, n_bt, 8, _BT), jnp.float32),
        mesh=mesh,
        scratch_types=scratch,
        compiler_params=pltpu.CompilerParams(needs_layout_passes=False,
                                             use_tc_tiling_on_sc=False),
    )(xT, tbl)
    return out5.transpose(2, 4, 0, 1, 3).reshape(batch, hist, _D)

# --- scband reference (transcript-rebuilt; emitter-appended) ---
"""Pipeline reference for scband-embed-84902913507679 (READ-ONLY COPY).

The authoritative reference and input builder live on the scoring server;
editing this copy changes nothing except your own understanding.
"""

import jax, jax.numpy as jnp
import numpy as np

VOCAB = 1000000
EMB_DIM = 64
BATCH = 4096
HIST = 200


def setup_inputs(seed: int = 0) -> dict:
    key = jax.random.key(seed)
    k1, k2 = jax.random.split(key)
    X = jax.random.randint(k1, (BATCH, HIST), 0, VOCAB, dtype=jnp.int32)
    table = jax.random.normal(k2, (VOCAB, EMB_DIM), dtype=jnp.float32) * 0.02
    return {"X": X, "table": table}


def reference(X, table):
    # nn.Embedding with padding_idx=0: row 0 is treated as an all-zero
    # embedding (and receives no gradient). Enforce via functional set.
    table_eff = table.at[0].set(0.0)
    embedded = jnp.take(table_eff, X, axis=0)
    # Dropout in eval/inference mode is the identity.
    return embedded

if __name__ == "__main__":
    import jax
    _d = setup_inputs()
    print(jax.jit(kernel)(*tuple(_d.values())))

</pallas_src>

<mosaic_0001>
#map = affine_map<(d0, d1) -> (0, 0)>
#map1 = affine_map<(d0, d1) -> (0, 0, 0, 0, 0)>
module attributes {stable_mosaic.version = 14 : i64} {
  func.func @_k2_body(%arg0: i32, %arg1: i32, %arg2: memref<200x4096xi32, #tpu.memory_space<hbm>>, %arg3: memref<1003520x64xf32, #tpu.memory_space<hbm>>, %arg4: memref<200x8x32x8x128xf32, #tpu.memory_space<hbm>>, %arg5: memref<200x128xi32, #tpu.memory_space<vmem>>, %arg6: memref<128x64xf32, #tpu.memory_space<vmem>>, %arg7: memref<128x64xf32, #tpu.memory_space<vmem>>, %arg8: memref<128x64xf32, #tpu.memory_space<vmem>>, %arg9: memref<128x64xf32, #tpu.memory_space<vmem>>, %arg10: memref<8x8x128xf32, #tpu.memory_space<vmem>>, %arg11: memref<8x8x128xf32, #tpu.memory_space<vmem>>, %arg12: memref<8x8x128xf32, #tpu.memory_space<vmem>>, %arg13: memref<8x8x128xf32, #tpu.memory_space<vmem>>, %arg14: memref<!tpu.dma_semaphore, #tpu.memory_space<semaphore_mem>>, %arg15: memref<!tpu.dma_semaphore, #tpu.memory_space<semaphore_mem>>, %arg16: memref<!tpu.dma_semaphore, #tpu.memory_space<semaphore_mem>>, %arg17: memref<!tpu.dma_semaphore, #tpu.memory_space<semaphore_mem>>, %arg18: memref<!tpu.dma_semaphore, #tpu.memory_space<semaphore_mem>>, %arg19: memref<!tpu.dma_semaphore, #tpu.memory_space<semaphore_mem>>, %arg20: memref<!tpu.dma_semaphore, #tpu.memory_space<semaphore_mem>>, %arg21: memref<!tpu.dma_semaphore, #tpu.memory_space<semaphore_mem>>) attributes {dimension_semantics = [#tpu.dimension_semantics<core_parallel>, #tpu.dimension_semantics<subcore_parallel>], iteration_bounds = array<i64: 2, 16>, scalar_prefetch = 0 : i64, scratch_operands = 17 : i64, tpu.core_type = #tpu.core_type<sc_vector_subcore>, window_params = [{transform_indices = #map}, {transform_indices = #map}, {transform_indices = #map1}]} {
    %mul3A = arith.constant 2 : i32
    %mul3A_0 = arith.muli %arg1, %mul3A : i32
    %add3A = arith.addi %mul3A_0, %arg0 : i32
    %mul3A_1 = arith.constant 128 : i32
    %mul3A_2 = arith.muli %add3A, %mul3A_1 : i32
    "tpu.region"() ({
      %run_scoped3A = tpu.sem_alloc : memref<!tpu.dma_semaphore, #tpu.memory_space<semaphore_mem>>
      %dma_start3A_108 = arith.constant 0 : i32
      %dma_start3A_109 = tpu.memref_slice %arg2[%dma_start3A_108, %mul3A_2] : memref<200x4096xi32, #tpu.memory_space<hbm>> -> memref<200x128xi32, #tpu.memory_space<hbm>>
      %dma_start3A_110 = arith.constant 0 : i32
      %dma_start3A_111 = tpu.memref_slice %arg2[%dma_start3A_110, %mul3A_2] : memref<200x4096xi32, #tpu.memory_space<hbm>> -> memref<200x128xi32, #tpu.memory_space<hbm>>
      tpu.enqueue_dma source(%dma_start3A_111 : memref<200x128xi32, #tpu.memory_space<hbm>>) target(%arg5 : memref<200x128xi32, #tpu.memory_space<vmem>>) target_semaphore(%run_scoped3A : memref<!tpu.dma_semaphore, #tpu.memory_space<semaphore_mem>>)
      %dma_wait3A_112 = arith.constant 0 : i32
      %dma_wait3A_113 = tpu.memref_slice %arg2[%dma_wait3A_112, %mul3A_2] : memref<200x4096xi32, #tpu.memory_space<hbm>> -> memref<200x128xi32, #tpu.memory_space<hbm>>
      %dma_wait3A_114 = arith.constant 0 : i32
      %dma_wait3A_115 = tpu.memref_slice %arg2[%dma_wait3A_114, %mul3A_2] : memref<200x4096xi32, #tpu.memory_space<hbm>> -> memref<200x128xi32, #tpu.memory_space<hbm>>
      tpu.wait_dma2 semaphore(%run_scoped3A : memref<!tpu.dma_semaphore, #tpu.memory_space<semaphore_mem>>) src(%dma_wait3A_115 : memref<200x128xi32, #tpu.memory_space<hbm>>) dst(%arg5 : memref<200x128xi32, #tpu.memory_space<vmem>>)
      tpu.yield
    }) : () -> ()
    %scan3A = arith.constant 0 : i32
    %scan3A_3 = arith.constant 0 : i32
    %scan3A_4 = arith.constant 200 : i32
    %scan3A_5 = arith.addi %scan3A_3, %scan3A_4 : i32
    %scan3A_6 = arith.constant 1 : i32
    scf.for %scan3A_108 = %scan3A_3 to %scan3A_5 step %scan3A_6  : i32 {
      %get3A = arith.index_cast %scan3A_108 : i32 to index
      %get3A_109 = arith.constant 0 : index
      %get3A_110 = tpu.vector_load %arg5[%get3A, %get3A_109] {strides = array<i32>} : memref<200x128xi32, #tpu.memory_space<vmem>>, vector<16xi32>,
      %eq3A = arith.constant 0 : i32
      %eq3A_111 = vector.broadcast %eq3A : i32 to vector<16xi32>
      %eq3A_112 = arith.cmpi eq, %get3A_110, %eq3A_111 : vector<16xi32>
      %jit3A = arith.constant 1000000 : i32
      %broadcast_in_dim3A = vector.broadcast %jit3A : i32 to vector<16xi32>
      %select_n3A = arith.select %eq3A_112, %broadcast_in_dim3A, %get3A_110 : vector<16xi1>, vector<16xi32>
      %and3A = arith.constant 4095 : i32
      %and3A_113 = vector.broadcast %and3A : i32 to vector<16xi32>
      %and3A_114 = arith.andi %select_n3A, %and3A_113 : vector<16xi32>
      %lt3A = arith.constant 2048 : i32
      %lt3A_115 = vector.broadcast %lt3A : i32 to vector<16xi32>
      %lt3A_116 = arith.cmpi slt, %and3A_114, %lt3A_115 : vector<16xi32>
      %mul3A_117 = arith.constant 2 : i32
      %mul3A_118 = vector.broadcast %mul3A_117 : i32 to vector<16xi32>
      %mul3A_119 = arith.muli %and3A_114, %mul3A_118 : vector<16xi32>
      %sub3A = arith.constant 2048 : i32
      %sub3A_120 = vector.broadcast %sub3A : i32 to vector<16xi32>
      %sub3A_121 = arith.subi %and3A_114, %sub3A_120 : vector<16xi32>
      %mul3A_122 = arith.constant 2 : i32
      %mul3A_123 = vector.broadcast %mul3A_122 : i32 to vector<16xi32>
      %mul3A_124 = arith.muli %sub3A_121, %mul3A_123 : vector<16xi32>
      %add3A_125 = arith.constant 1 : i32
      %add3A_126 = vector.broadcast %add3A_125 : i32 to vector<16xi32>
      %add3A_127 = arith.addi %mul3A_124, %add3A_126 : vector<16xi32>
      %select_n3A_128 = arith.select %lt3A_116, %mul3A_119, %add3A_127 : vector<16xi1>, vector<16xi32>
      %sub3A_129 = arith.subi %select_n3A, %and3A_114 : vector<16xi32>
      %add3A_130 = arith.addi %sub3A_129, %select_n3A_128 : vector<16xi32>
      %swap3A = arith.index_cast %scan3A_108 : i32 to index
      %swap3A_131 = arith.constant 0 : index
      %swap3A_132 = tpu.vector_load %arg5[%swap3A, %swap3A_131] {strides = array<i32>} : memref<200x128xi32, #tpu.memory_space<vmem>>, vector<16xi32>,
      tpu.vector_store %arg5[%swap3A, %swap3A_131], %add3A_130 {strides = array<i32>} : memref<200x128xi32, #tpu.memory_space<vmem>>, vector<16xi32>,
      %get3A_133 = arith.index_cast %scan3A_108 : i32 to index
      %get3A_134 = arith.constant 16 : index
      %get3A_135 = tpu.vector_load %arg5[%get3A_133, %get3A_134] {strides = array<i32>} : memref<200x128xi32, #tpu.memory_space<vmem>>, vector<16xi32>,
      %eq3A_136 = arith.constant 0 : i32
      %eq3A_137 = vector.broadcast %eq3A_136 : i32 to vector<16xi32>
      %eq3A_138 = arith.cmpi eq, %get3A_135, %eq3A_137 : vector<16xi32>
      %jit3A_139 = arith.constant 1000000 : i32
      %broadcast_in_dim3A_140 = vector.broadcast %jit3A_139 : i32 to vector<16xi32>
      %select_n3A_141 = arith.select %eq3A_138, %broadcast_in_dim3A_140, %get3A_135 : vector<16xi1>, vector<16xi32>
      %and3A_142 = arith.constant 4095 : i32
      %and3A_143 = vector.broadcast %and3A_142 : i32 to vector<16xi32>
      %and3A_144 = arith.andi %select_n3A_141, %and3A_143 : vector<16xi32>
      %lt3A_145 = arith.constant 2048 : i32
      %lt3A_146 = vector.broadcast %lt3A_145 : i32 to vector<16xi32>
      %lt3A_147 = arith.cmpi slt, %and3A_144, %lt3A_146 : vector<16xi32>
      %mul3A_148 = arith.constant 2 : i32
      %mul3A_149 = vector.broadcast %mul3A_148 : i32 to vector<16xi32>
      %mul3A_150 = arith.muli %and3A_144, %mul3A_149 : vector<16xi32>
      %sub3A_151 = arith.constant 2048 : i32
      %sub3A_152 = vector.broadcast %sub3A_151 : i32 to vector<16xi32>
      %sub3A_153 = arith.subi %and3A_144, %sub3A_152 : vector<16xi32>
      %mul3A_154 = arith.constant 2 : i32
      %mul3A_155 = vector.broadcast %mul3A_154 : i32 to vector<16xi32>
      %mul3A_156 = arith.muli %sub3A_153, %mul3A_155 : vector<16xi32>
      %add3A_157 = arith.constant 1 : i32
      %add3A_158 = vector.broadcast %add3A_157 : i32 to vector<16xi32>
      %add3A_159 = arith.addi %mul3A_156, %add3A_158 : vector<16xi32>
      %select_n3A_160 = arith.select %lt3A_147, %mul3A_150, %add3A_159 : vector<16xi1>, vector<16xi32>
      %sub3A_161 = arith.subi %select_n3A_141, %and3A_144 : vector<16xi32>
      %add3A_162 = arith.addi %sub3A_161, %select_n3A_160 : vector<16xi32>
      %swap3A_163 = arith.index_cast %scan3A_108 : i32 to index
      %swap3A_164 = arith.constant 16 : index
      %swap3A_165 = tpu.vector_load %arg5[%swap3A_163, %swap3A_164] {strides = array<i32>} : memref<200x128xi32, #tpu.memory_space<vmem>>, vector<16xi32>,
      tpu.vector_store %arg5[%swap3A_163, %swap3A_164], %add3A_162 {strides = array<i32>} : memref<200x128xi32, #tpu.memory_space<vmem>>, vector<16xi32>,
      %get3A_166 = arith.index_cast %scan3A_108 : i32 to index
      %get3A_167 = arith.constant 32 : index
      %get3A_168 = tpu.vector_load %arg5[%get3A_166, %get3A_167] {strides = array<i32>} : memref<200x128xi32, #tpu.memory_space<vmem>>, vector<16xi32>,
      %eq3A_169 = arith.constant 0 : i32
      %eq3A_170 = vector.broadcast %eq3A_169 : i32 to vector<16xi32>
      %eq3A_171 = arith.cmpi eq, %get3A_168, %eq3A_170 : vector<16xi32>
      %jit3A_172 = arith.constant 1000000 : i32
      %broadcast_in_dim3A_173 = vector.broadcast %jit3A_172 : i32 to vector<16xi32>
      %select_n3A_174 = arith.select %eq3A_171, %broadcast_in_dim3A_173, %get3A_168 : vector<16xi1>, vector<16xi32>
      %and3A_175 = arith.constant 4095 : i32
      %and3A_176 = vector.broadcast %and3A_175 : i32 to vector<16xi32>
      %and3A_177 = arith.andi %select_n3A_174, %and3A_176 : vector<16xi32>
      %lt3A_178 = arith.constant 2048 : i32
      %lt3A_179 = vector.broadcast %lt3A_178 : i32 to vector<16xi32>
      %lt3A_180 = arith.cmpi slt, %and3A_177, %lt3A_179 : vector<16xi32>
      %mul3A_181 = arith.constant 2 : i32
      %mul3A_182 = vector.broadcast %mul3A_181 : i32 to vector<16xi32>
      %mul3A_183 = arith.muli %and3A_177, %mul3A_182 : vector<16xi32>
      %sub3A_184 = arith.constant 2048 : i32
      %sub3A_185 = vector.broadcast %sub3A_184 : i32 to vector<16xi32>
      %sub3A_186 = arith.subi %and3A_177, %sub3A_185 : vector<16xi32>
      %mul3A_187 = arith.constant 2 : i32
      %mul3A_188 = vector.broadcast %mul3A_187 : i32 to vector<16xi32>
      %mul3A_189 = arith.muli %sub3A_186, %mul3A_188 : vector<16xi32>
      %add3A_190 = arith.constant 1 : i32
      %add3A_191 = vector.broadcast %add3A_190 : i32 to vector<16xi32>
      %add3A_192 = arith.addi %mul3A_189, %add3A_191 : vector<16xi32>
      %select_n3A_193 = arith.select %lt3A_180, %mul3A_183, %add3A_192 : vector<16xi1>, vector<16xi32>
      %sub3A_194 = arith.subi %select_n3A_174, %and3A_177 : vector<16xi32>
      %add3A_195 = arith.addi %sub3A_194, %select_n3A_193 : vector<16xi32>
      %swap3A_196 = arith.index_cast %scan3A_108 : i32 to index
      %swap3A_197 = arith.constant 32 : index
      %swap3A_198 = tpu.vector_load %arg5[%swap3A_196, %swap3A_197] {strides = array<i32>} : memref<200x128xi32, #tpu.memory_space<vmem>>, vector<16xi32>,
      tpu.vector_store %arg5[%swap3A_196, %swap3A_197], %add3A_195 {strides = array<i32>} : memref<200x128xi32, #tpu.memory_space<vmem>>, vector<16xi32>,
      %get3A_199 = arith.index_cast %scan3A_108 : i32 to index
      %get3A_200 = arith.constant 48 : index
      %get3A_201 = tpu.vector_load %arg5[%get3A_199, %get3A_200] {strides = array<i32>} : memref<200x128xi32, #tpu.memory_space<vmem>>, vector<16xi32>,
      %eq3A_202 = arith.constant 0 : i32
      %eq3A_203 = vector.broadcast %eq3A_202 : i32 to vector<16xi32>
      %eq3A_204 = arith.cmpi eq, %get3A_201, %eq3A_203 : vector<16xi32>
      %jit3A_205 = arith.constant 1000000 : i32
      %broadcast_in_dim3A_206 = vector.broadcast %jit3A_205 : i32 to vector<16xi32>
      %select_n3A_207 = arith.select %eq3A_204, %broadcast_in_dim3A_206, %get3A_201 : vector<16xi1>, vector<16xi32>
      %and3A_208 = arith.constant 4095 : i32
      %and3A_209 = vector.broadcast %and3A_208 : i32 to vector<16xi32>
      %and3A_210 = arith.andi %select_n3A_207, %and3A_209 : vector<16xi32>
      %lt3A_211 = arith.constant 2048 : i32
      %lt3A_212 = vector.broadcast %lt3A_211 : i32 to vector<16xi32>
      %lt3A_213 = arith.cmpi slt, %and3A_210, %lt3A_212 : vector<16xi32>
      %mul3A_214 = arith.constant 2 : i32
      %mul3A_215 = vector.broadcast %mul3A_214 : i32 to vector<16xi32>
      %mul3A_216 = arith.muli %and3A_210, %mul3A_215 : vector<16xi32>
      %sub3A_217 = arith.constant 2048 : i32
      %sub3A_218 = vector.broadcast %sub3A_217 : i32 to vector<16xi32>
      %sub3A_219 = arith.subi %and3A_210, %sub3A_218 : vector<16xi32>
      %mul3A_220 = arith.constant 2 : i32
      %mul3A_221 = vector.broadcast %mul3A_220 : i32 to vector<16xi32>
      %mul3A_222 = arith.muli %sub3A_219, %mul3A_221 : vector<16xi32>
      %add3A_223 = arith.constant 1 : i32
      %add3A_224 = vector.broadcast %add3A_223 : i32 to vector<16xi32>
      %add3A_225 = arith.addi %mul3A_222, %add3A_224 : vector<16xi32>
      %select_n3A_226 = arith.select %lt3A_213, %mul3A_216, %add3A_225 : vector<16xi1>, vector<16xi32>
      %sub3A_227 = arith.subi %select_n3A_207, %and3A_210 : vector<16xi32>
      %add3A_228 = arith.addi %sub3A_227, %select_n3A_226 : vector<16xi32>
      %swap3A_229 = arith.index_cast %scan3A_108 : i32 to index
      %swap3A_230 = arith.constant 48 : index
      %swap3A_231 = tpu.vector_load %arg5[%swap3A_229, %swap3A_230] {strides = array<i32>} : memref<200x128xi32, #tpu.memory_space<vmem>>, vector<16xi32>,
      tpu.vector_store %arg5[%swap3A_229, %swap3A_230], %add3A_228 {strides = array<i32>} : memref<200x128xi32, #tpu.memory_space<vmem>>, vector<16xi32>,
      %get3A_232 = arith.index_cast %scan3A_108 : i32 to index
      %get3A_233 = arith.constant 64 : index
      %get3A_234 = tpu.vector_load %arg5[%get3A_232, %get3A_233] {strides = array<i32>} : memref<200x128xi32, #tpu.memory_space<vmem>>, vector<16xi32>,
      %eq3A_235 = arith.constant 0 : i32
      %eq3A_236 = vector.broadcast %eq3A_235 : i32 to vector<16xi32>
      %eq3A_237 = arith.cmpi eq, %get3A_234, %eq3A_236 : vector<16xi32>
      %jit3A_238 = arith.constant 1000000 : i32
      %broadcast_in_dim3A_239 = vector.broadcast %jit3A_238 : i32 to vector<16xi32>
      %select_n3A_240 = arith.select %eq3A_237, %broadcast_in_dim3A_239, %get3A_234 : vector<16xi1>, vector<16xi32>
      %and3A_241 = arith.constant 4095 : i32
      %and3A_242 = vector.broadcast %and3A_241 : i32 to vector<16xi32>
      %and3A_243 = arith.andi %select_n3A_240, %and3A_242 : vector<16xi32>
      %lt3A_244 = arith.constant 2048 : i32
      %lt3A_245 = vector.broadcast %lt3A_244 : i32 to vector<16xi32>
      %lt3A_246 = arith.cmpi slt, %and3A_243, %lt3A_245 : vector<16xi32>
      %mul3A_247 = arith.constant 2 : i32
      %mul3A_248 = vector.broadcast %mul3A_247 : i32 to vector<16xi32>
      %mul3A_249 = arith.muli %and3A_243, %mul3A_248 : vector<16xi32>
      %sub3A_250 = arith.constant 2048 : i32
      %sub3A_251 = vector.broadcast %sub3A_250 : i32 to vector<16xi32>
      %sub3A_252 = arith.subi %and3A_243, %sub3A_251 : vector<16xi32>
      %mul3A_253 = arith.constant 2 : i32
      %mul3A_254 = vector.broadcast %mul3A_253 : i32 to vector<16xi32>
      %mul3A_255 = arith.muli %sub3A_252, %mul3A_254 : vector<16xi32>
      %add3A_256 = arith.constant 1 : i32
      %add3A_257 = vector.broadcast %add3A_256 : i32 to vector<16xi32>
      %add3A_258 = arith.addi %mul3A_255, %add3A_257 : vector<16xi32>
      %select_n3A_259 = arith.select %lt3A_246, %mul3A_249, %add3A_258 : vector<16xi1>, vector<16xi32>
      %sub3A_260 = arith.subi %select_n3A_240, %and3A_243 : vector<16xi32>
      %add3A_261 = arith.addi %sub3A_260, %select_n3A_259 : vector<16xi32>
      %swap3A_262 = arith.index_cast %scan3A_108 : i32 to index
      %swap3A_263 = arith.constant 64 : index
      %swap3A_264 = tpu.vector_load %arg5[%swap3A_262, %swap3A_263] {strides = array<i32>} : memref<200x128xi32, #tpu.memory_space<vmem>>, vector<16xi32>,
      tpu.vector_store %arg5[%swap3A_262, %swap3A_263], %add3A_261 {strides = array<i32>} : memref<200x128xi32, #tpu.memory_space<vmem>>, vector<16xi32>,
      %get3A_265 = arith.index_cast %scan3A_108 : i32 to index
      %get3A_266 = arith.constant 80 : index
      %get3A_267 = tpu.vector_load %arg5[%get3A_265, %get3A_266] {strides = array<i32>} : memref<200x128xi32, #tpu.memory_space<vmem>>, vector<16xi32>,
      %eq3A_268 = arith.constant 0 : i32
      %eq3A_269 = vector.broadcast %eq3A_268 : i32 to vector<16xi32>
      %eq3A_270 = arith.cmpi eq, %get3A_267, %eq3A_269 : vector<16xi32>
      %jit3A_271 = arith.constant 1000000 : i32
      %broadcast_in_dim3A_272 = vector.broadcast %jit3A_271 : i32 to vector<16xi32>
      %select_n3A_273 = arith.select %eq3A_270, %broadcast_in_dim3A_272, %get3A_267 : vector<16xi1>, vector<16xi32>
      %and3A_274 = arith.constant 4095 : i32
      %and3A_275 = vector.broadcast %and3A_274 : i32 to vector<16xi32>
      %and3A_276 = arith.andi %select_n3A_273, %and3A_275 : vector<16xi32>
      %lt3A_277 = arith.constant 2048 : i32
      %lt3A_278 = vector.broadcast %lt3A_277 : i32 to vector<16xi32>
      %lt3A_279 = arith.cmpi slt, %and3A_276, %lt3A_278 : vector<16xi32>
      %mul3A_280 = arith.constant 2 : i32
      %mul3A_281 = vector.broadcast %mul3A_280 : i32 to vector<16xi32>
      %mul3A_282 = arith.muli %and3A_276, %mul3A_281 : vector<16xi32>
      %sub3A_283 = arith.constant 2048 : i32
      %sub3A_284 = vector.broadcast %sub3A_283 : i32 to vector<16xi32>
      %sub3A_285 = arith.subi %and3A_276, %sub3A_284 : vector<16xi32>
      %mul3A_286 = arith.constant 2 : i32
      %mul3A_287 = vector.broadcast %mul3A_286 : i32 to vector<16xi32>
      %mul3A_288 = arith.muli %sub3A_285, %mul3A_287 : vector<16xi32>
      %add3A_289 = arith.constant 1 : i32
      %add3A_290 = vector.broadcast %add3A_289 : i32 to vector<16xi32>
      %add3A_291 = arith.addi %mul3A_288, %add3A_290 : vector<16xi32>
      %select_n3A_292 = arith.select %lt3A_279, %mul3A_282, %add3A_291 : vector<16xi1>, vector<16xi32>
      %sub3A_293 = arith.subi %select_n3A_273, %and3A_276 : vector<16xi32>
      %add3A_294 = arith.addi %sub3A_293, %select_n3A_292 : vector<16xi32>
      %swap3A_295 = arith.index_cast %scan3A_108 : i32 to index
      %swap3A_296 = arith.constant 80 : index
      %swap3A_297 = tpu.vector_load %arg5[%swap3A_295, %swap3A_296] {strides = array<i32>} : memref<200x128xi32, #tpu.memory_space<vmem>>, vector<16xi32>,
      tpu.vector_store %arg5[%swap3A_295, %swap3A_296], %add3A_294 {strides = array<i32>} : memref<200x128xi32, #tpu.memory_space<vmem>>, vector<16xi32>,
      %get3A_298 = arith.index_cast %scan3A_108 : i32 to index
      %get3A_299 = arith.constant 96 : index
      %get3A_300 = tpu.vector_load %arg5[%get3A_298, %get3A_299] {strides = array<i32>} : memref<200x128xi32, #tpu.memory_space<vmem>>, vector<16xi32>,
      %eq3A_301 = arith.constant 0 : i32
      %eq3A_302 = vector.broadcast %eq3A_301 : i32 to vector<16xi32>
      %eq3A_303 = arith.cmpi eq, %get3A_300, %eq3A_302 : vector<16xi32>
      %jit3A_304 = arith.constant 1000000 : i32
      %broadcast_in_dim3A_305 = vector.broadcast %jit3A_304 : i32 to vector<16xi32>
      %select_n3A_306 = arith.select %eq3A_303, %broadcast_in_dim3A_305, %get3A_300 : vector<16xi1>, vector<16xi32>
      %and3A_307 = arith.constant 4095 : i32
      %and3A_308 = vector.broadcast %and3A_307 : i32 to vector<16xi32>
      %and3A_309 = arith.andi %select_n3A_306, %and3A_308 : vector<16xi32>
      %lt3A_310 = arith.constant 2048 : i32
      %lt3A_311 = vector.broadcast %lt3A_310 : i32 to vector<16xi32>
      %lt3A_312 = arith.cmpi slt, %and3A_309, %lt3A_311 : vector<16xi32>
      %mul3A_313 = arith.constant 2 : i32
      %mul3A_314 = vector.broadcast %mul3A_313 : i32 to vector<16xi32>
      %mul3A_315 = arith.muli %and3A_309, %mul3A_314 : vector<16xi32>
      %sub3A_316 = arith.constant 2048 : i32
      %sub3A_317 = vector.broadcast %sub3A_316 : i32 to vector<16xi32>
      %sub3A_318 = arith.subi %and3A_309, %sub3A_317 : vector<16xi32>
      %mul3A_319 = arith.constant 2 : i32
      %mul3A_320 = vector.broadcast %mul3A_319 : i32 to vector<16xi32>
      %mul3A_321 = arith.muli %sub3A_318, %mul3A_320 : vector<16xi32>
      %add3A_322 = arith.constant 1 : i32
      %add3A_323 = vector.broadcast %add3A_322 : i32 to vector<16xi32>
      %add3A_324 = arith.addi %mul3A_321, %add3A_323 : vector<16xi32>
      %select_n3A_325 = arith.select %lt3A_312, %mul3A_315, %add3A_324 : vector<16xi1>, vector<16xi32>
      %sub3A_326 = arith.subi %select_n3A_306, %and3A_309 : vector<16xi32>
      %add3A_327 = arith.addi %sub3A_326, %select_n3A_325 : vector<16xi32>
      %swap3A_328 = arith.index_cast %scan3A_108 : i32 to index
      %swap3A_329 = arith.constant 96 : index
      %swap3A_330 = tpu.vector_load %arg5[%swap3A_328, %swap3A_329] {strides = array<i32>} : memref<200x128xi32, #tpu.memory_space<vmem>>, vector<16xi32>,
      tpu.vector_store %arg5[%swap3A_328, %swap3A_329], %add3A_327 {strides = array<i32>} : memref<200x128xi32, #tpu.memory_space<vmem>>, vector<16xi32>,
      %get3A_331 = arith.index_cast %scan3A_108 : i32 to index
      %get3A_332 = arith.constant 112 : index
      %get3A_333 = tpu.vector_load %arg5[%get3A_331, %get3A_332] {strides = array<i32>} : memref<200x128xi32, #tpu.memory_space<vmem>>, vector<16xi32>,
      %eq3A_334 = arith.constant 0 : i32
      %eq3A_335 = vector.broadcast %eq3A_334 : i32 to vector<16xi32>
      %eq3A_336 = arith.cmpi eq, %get3A_333, %eq3A_335 : vector<16xi32>
      %jit3A_337 = arith.constant 1000000 : i32
      %broadcast_in_dim3A_338 = vector.broadcast %jit3A_337 : i32 to vector<16xi32>
      %select_n3A_339 = arith.select %eq3A_336, %broadcast_in_dim3A_338, %get3A_333 : vector<16xi1>, vector<16xi32>
      %and3A_340 = arith.constant 4095 : i32
      %and3A_341 = vector.broadcast %and3A_340 : i32 to vector<16xi32>
      %and3A_342 = arith.andi %select_n3A_339, %and3A_341 : vector<16xi32>
      %lt3A_343 = arith.constant 2048 : i32
      %lt3A_344 = vector.broadcast %lt3A_343 : i32 to vector<16xi32>
      %lt3A_345 = arith.cmpi slt, %and3A_342, %lt3A_344 : vector<16xi32>
      %mul3A_346 = arith.constant 2 : i32
      %mul3A_347 = vector.broadcast %mul3A_346 : i32 to vector<16xi32>
      %mul3A_348 = arith.muli %and3A_342, %mul3A_347 : vector<16xi32>
      %sub3A_349 = arith.constant 2048 : i32
      %sub3A_350 = vector.broadcast %sub3A_349 : i32 to vector<16xi32>
      %sub3A_351 = arith.subi %and3A_342, %sub3A_350 : vector<16xi32>
      %mul3A_352 = arith.constant 2 : i32
      %mul3A_353 = vector.broadcast %mul3A_352 : i32 to vector<16xi32>
      %mul3A_354 = arith.muli %sub3A_351, %mul3A_353 : vector<16xi32>
      %add3A_355 = arith.constant 1 : i32
      %add3A_356 = vector.broadcast %add3A_355 : i32 to vector<16xi32>
      %add3A_357 = arith.addi %mul3A_354, %add3A_356 : vector<16xi32>
      %select_n3A_358 = arith.select %lt3A_345, %mul3A_348, %add3A_357 : vector<16xi1>, vector<16xi32>
      %sub3A_359 = arith.subi %select_n3A_339, %and3A_342 : vector<16xi32>
      %add3A_360 = arith.addi %sub3A_359, %select_n3A_358 : vector<16xi32>
      %swap3A_361 = arith.index_cast %scan3A_108 : i32 to index
      %swap3A_362 = arith.constant 112 : index
      %swap3A_363 = tpu.vector_load %arg5[%swap3A_361, %swap3A_362] {strides = array<i32>} : memref<200x128xi32, #tpu.memory_space<vmem>>, vector<16xi32>,
      tpu.vector_store %arg5[%swap3A_361, %swap3A_362], %add3A_360 {strides = array<i32>} : memref<200x128xi32, #tpu.memory_space<vmem>>, vector<16xi32>,
    }
    %scan3A_7 = arith.constant 200 : i32
    %iota3A = tpu.iota {dimensions = array<i32: 0>} : vector<16xi32>
    %add3A_8 = arith.constant 0 : i32
    %add3A_9 = vector.broadcast %add3A_8 : i32 to vector<16xi32>
    %add3A_10 = arith.addi %iota3A, %add3A_9 : vector<16xi32>
    %add3A_11 = arith.constant 16 : i32
    %add3A_12 = vector.broadcast %add3A_11 : i32 to vector<16xi32>
    %add3A_13 = arith.addi %iota3A, %add3A_12 : vector<16xi32>
    %add3A_14 = arith.constant 32 : i32
    %add3A_15 = vector.broadcast %add3A_14 : i32 to vector<16xi32>
    %add3A_16 = arith.addi %iota3A, %add3A_15 : vector<16xi32>
    %add3A_17 = arith.constant 48 : i32
    %add3A_18 = vector.broadcast %add3A_17 : i32 to vector<16xi32>
    %add3A_19 = arith.addi %iota3A, %add3A_18 : vector<16xi32>
    %add3A_20 = arith.constant 64 : i32
    %add3A_21 = vector.broadcast %add3A_20 : i32 to vector<16xi32>
    %add3A_22 = arith.addi %iota3A, %add3A_21 : vector<16xi32>
    %add3A_23 = arith.constant 80 : i32
    %add3A_24 = vector.broadcast %add3A_23 : i32 to vector<16xi32>
    %add3A_25 = arith.addi %iota3A, %add3A_24 : vector<16xi32>
    %add3A_26 = arith.constant 96 : i32
    %add3A_27 = vector.broadcast %add3A_26 : i32 to vector<16xi32>
    %add3A_28 = arith.addi %iota3A, %add3A_27 : vector<16xi32>
    %add3A_29 = arith.constant 112 : i32
    %add3A_30 = vector.broadcast %add3A_29 : i32 to vector<16xi32>
    %add3A_31 = arith.addi %iota3A, %add3A_30 : vector<16xi32>
    %dma_start3A = arith.constant 0 : i32
    %dma_start3A_32 = arith.constant 0 : i32
    %dma_start3A_33 = tpu.memref_slice %arg5[%dma_start3A, %dma_start3A_32] : memref<200x128xi32, #tpu.memory_space<vmem>> -> memref<1x128xi32, #tpu.memory_space<vmem>>
    %dma_start3A_34 = tpu.memref_squeeze %dma_start3A_33 : memref<1x128xi32, #tpu.memory_space<vmem>> -> memref<128xi32, #tpu.memory_space<vmem>>
    %dma_start3A_35 = arith.constant 0 : i32
    %dma_start3A_36 = arith.constant 0 : i32
    %dma_start3A_37 = tpu.memref_slice %arg3[%dma_start3A_35, %dma_start3A_36] : memref<1003520x64xf32, #tpu.memory_space<hbm>> -> memref<1003520x64xf32, #tpu.memory_space<hbm>>
    tpu.enqueue_indirect_dma source(%dma_start3A_37 : memref<1003520x64xf32, #tpu.memory_space<hbm>>) target(%arg6 : memref<128x64xf32, #tpu.memory_space<vmem>>) offsets(%dma_start3A_34 : memref<128xi32, #tpu.memory_space<vmem>>) semaphore(%arg14 : memref<!tpu.dma_semaphore, #tpu.memory_space<semaphore_mem>>)
    %dma_start3A_38 = arith.constant 1 : i32
    %dma_start3A_39 = arith.constant 0 : i32
    %dma_start3A_40 = tpu.memref_slice %arg5[%dma_start3A_38, %dma_start3A_39] : memref<200x128xi32, #tpu.memory_space<vmem>> -> memref<1x128xi32, #tpu.memory_space<vmem>>
    %dma_start3A_41 = tpu.memref_squeeze %dma_start3A_40 : memref<1x128xi32, #tpu.memory_space<vmem>> -> memref<128xi32, #tpu.memory_space<vmem>>
    %dma_start3A_42 = arith.constant 0 : i32
    %dma_start3A_43 = arith.constant 0 : i32
    %dma_start3A_44 = tpu.memref_slice %arg3[%dma_start3A_42, %dma_start3A_43] : memref<1003520x64xf32, #tpu.memory_space<hbm>> -> memref<1003520x64xf32, #tpu.memory_space<hbm>>
    tpu.enqueue_indirect_dma source(%dma_start3A_44 : memref<1003520x64xf32, #tpu.memory_space<hbm>>) target(%arg7 : memref<128x64xf32, #tpu.memory_space<vmem>>) offsets(%dma_start3A_41 : memref<128xi32, #tpu.memory_space<vmem>>) semaphore(%arg15 : memref<!tpu.dma_semaphore, #tpu.memory_space<semaphore_mem>>)
    %dma_start3A_45 = arith.constant 2 : i32
    %dma_start3A_46 = arith.constant 0 : i32
    %dma_start3A_47 = tpu.memref_slice %arg5[%dma_start3A_45, %dma_start3A_46] : memref<200x128xi32, #tpu.memory_space<vmem>> -> memref<1x128xi32, #tpu.memory_space<vmem>>
    %dma_start3A_48 = tpu.memref_squeeze %dma_start3A_47 : memref<1x128xi32, #tpu.memory_space<vmem>> -> memref<128xi32, #tpu.memory_space<vmem>>
    %dma_start3A_49 = arith.constant 0 : i32
    %dma_start3A_50 = arith.constant 0 : i32
    %dma_start3A_51 = tpu.memref_slice %arg3[%dma_start3A_49, %dma_start3A_50] : memref<1003520x64xf32, #tpu.memory_space<hbm>> -> memref<1003520x64xf32, #tpu.memory_space<hbm>>
    tpu.enqueue_indirect_dma source(%dma_start3A_51 : memref<1003520x64xf32, #tpu.memory_space<hbm>>) target(%arg8 : memref<128x64xf32, #tpu.memory_space<vmem>>) offsets(%dma_start3A_48 : memref<128xi32, #tpu.memory_space<vmem>>) semaphore(%arg16 : memref<!tpu.dma_semaphore, #tpu.memory_space<semaphore_mem>>)
    %dma_start3A_52 = arith.constant 3 : i32
    %dma_start3A_53 = arith.constant 0 : i32
    %dma_start3A_54 = tpu.memref_slice %arg5[%dma_start3A_52, %dma_start3A_53] : memref<200x128xi32, #tpu.memory_space<vmem>> -> memref<1x128xi32, #tpu.memory_space<vmem>>
    %dma_start3A_55 = tpu.memref_squeeze %dma_start3A_54 : memref<1x128xi32, #tpu.memory_space<vmem>> -> memref<128xi32, #tpu.memory_space<vmem>>
    %dma_start3A_56 = arith.constant 0 : i32
    %dma_start3A_57 = arith.constant 0 : i32
    %dma_start3A_58 = tpu.memref_slice %arg3[%dma_start3A_56, %dma_start3A_57] : memref<1003520x64xf32, #tpu.memory_space<hbm>> -> memref<1003520x64xf32, #tpu.memory_space<hbm>>
    tpu.enqueue_indirect_dma source(%dma_start3A_58 : memref<1003520x64xf32, #tpu.memory_space<hbm>>) target(%arg9 : memref<128x64xf32, #tpu.memory_space<vmem>>) offsets(%dma_start3A_55 : memref<128xi32, #tpu.memory_space<vmem>>) semaphore(%arg17 : memref<!tpu.dma_semaphore, #tpu.memory_space<semaphore_mem>>)
    %scan3A_59 = arith.constant 0 : i32
    %scan3A_60 = arith.constant 0 : i32
    %scan3A_61 = arith.constant 50 : i32
    %scan3A_62 = arith.addi %scan3A_60, %scan3A_61 : i32
    %scan3A_63 = arith.constant 1 : i32
    scf.for %scan3A_108 = %scan3A_60 to %scan3A_62 step %scan3A_63  : i32 {
      %mul3A_109 = arith.constant 4 : i32
      %mul3A_110 = arith.muli %scan3A_108, %mul3A_109 : i32
      %add3A_111 = arith.constant 0 : i32
      %add3A_112 = arith.addi %mul3A_110, %add3A_111 : i32
      %dma_wait3A_113 = arith.constant 0 : i32
      %dma_wait3A_114 = tpu.memref_slice %arg5[%add3A_112, %dma_wait3A_113] : memref<200x128xi32, #tpu.memory_space<vmem>> -> memref<1x128xi32, #tpu.memory_space<vmem>>
      %dma_wait3A_115 = tpu.memref_squeeze %dma_wait3A_114 : memref<1x128xi32, #tpu.memory_space<vmem>> -> memref<128xi32, #tpu.memory_space<vmem>>
      %dma_wait3A_116 = arith.constant 0 : i32
      %dma_wait3A_117 = arith.constant 0 : i32
      %dma_wait3A_118 = tpu.memref_slice %arg3[%dma_wait3A_116, %dma_wait3A_117] : memref<1003520x64xf32, #tpu.memory_space<hbm>> -> memref<1003520x64xf32, #tpu.memory_space<hbm>>
      tpu.wait_indirect_dma semaphore(%arg14 : memref<!tpu.dma_semaphore, #tpu.memory_space<semaphore_mem>>) src(%dma_wait3A_118 : memref<1003520x64xf32, #tpu.memory_space<hbm>>) dst(%arg6 : memref<128x64xf32, #tpu.memory_space<vmem>>)
      %scan3A_119 = arith.constant 0 : i32
      %scan3A_120 = arith.constant 0 : i32
      %scan3A_121 = arith.constant 64 : i32
      %scan3A_122 = arith.addi %scan3A_120, %scan3A_121 : i32
      %scan3A_123 = arith.constant 1 : i32
      scf.for %scan3A_238 = %scan3A_120 to %scan3A_122 step %scan3A_123  : i32 {
        %add3A_239 = vector.broadcast %scan3A_238 : i32 to vector<16xi32>
        %add3A_240 = arith.addi %iota3A, %add3A_239 : vector<16xi32>
        %and3A = arith.constant 63 : i32
        %and3A_241 = vector.broadcast %and3A : i32 to vector<16xi32>
        %and3A_242 = arith.andi %add3A_240, %and3A_241 : vector<16xi32>
        %shift_right_arithmetic3A = arith.constant 3 : i32
        %shift_right_arithmetic3A_243 = vector.broadcast %shift_right_arithmetic3A : i32 to vector<16xi32>
        %shift_right_arithmetic3A_244 = arith.shrsi %and3A_242, %shift_right_arithmetic3A_243 : vector<16xi32>
        %and3A_245 = arith.constant 7 : i32
        %and3A_246 = vector.broadcast %and3A_245 : i32 to vector<16xi32>
        %and3A_247 = arith.andi %and3A_242, %and3A_246 : vector<16xi32>
        %gather3A = tpu.vector_load_idx %arg6[%add3A_10, %and3A_242] : memref<128x64xf32, #tpu.memory_space<vmem>>[vector<16xi32>, vector<16xi32>], vector<16xf32>,
        tpu.vector_store_idx %arg10[%shift_right_arithmetic3A_244, %and3A_247, %add3A_10], %gather3A : memref<8x8x128xf32, #tpu.memory_space<vmem>>[vector<16xi32>, vector<16xi32>, vector<16xi32>], vector<16xf32>,
        %gather3A_248 = tpu.vector_load_idx %arg6[%add3A_13, %and3A_242] : memref<128x64xf32, #tpu.memory_space<vmem>>[vector<16xi32>, vector<16xi32>], vector<16xf32>,
        tpu.vector_store_idx %arg10[%shift_right_arithmetic3A_244, %and3A_247, %add3A_13], %gather3A_248 : memref<8x8x128xf32, #tpu.memory_space<vmem>>[vector<16xi32>, vector<16xi32>, vector<16xi32>], vector<16xf32>,
        %gather3A_249 = tpu.vector_load_idx %arg6[%add3A_16, %and3A_242] : memref<128x64xf32, #tpu.memory_space<vmem>>[vector<16xi32>, vector<16xi32>], vector<16xf32>,
        tpu.vector_store_idx %arg10[%shift_right_arithmetic3A_244, %and3A_247, %add3A_16], %gather3A_249 : memref<8x8x128xf32, #tpu.memory_space<vmem>>[vector<16xi32>, vector<16xi32>, vector<16xi32>], vector<16xf32>,
        %gather3A_250 = tpu.vector_load_idx %arg6[%add3A_19, %and3A_242] : memref<128x64xf32, #tpu.memory_space<vmem>>[vector<16xi32>, vector<16xi32>], vector<16xf32>,
        tpu.vector_store_idx %arg10[%shift_right_arithmetic3A_244, %and3A_247, %add3A_19], %gather3A_250 : memref<8x8x128xf32, #tpu.memory_space<vmem>>[vector<16xi32>, vector<16xi32>, vector<16xi32>], vector<16xf32>,
        %gather3A_251 = tpu.vector_load_idx %arg6[%add3A_22, %and3A_242] : memref<128x64xf32, #tpu.memory_space<vmem>>[vector<16xi32>, vector<16xi32>], vector<16xf32>,
        tpu.vector_store_idx %arg10[%shift_right_arithmetic3A_244, %and3A_247, %add3A_22], %gather3A_251 : memref<8x8x128xf32, #tpu.memory_space<vmem>>[vector<16xi32>, vector<16xi32>, vector<16xi32>], vector<16xf32>,
        %gather3A_252 = tpu.vector_load_idx %arg6[%add3A_25, %and3A_242] : memref<128x64xf32, #tpu.memory_space<vmem>>[vector<16xi32>, vector<16xi32>], vector<16xf32>,
        tpu.vector_store_idx %arg10[%shift_right_arithmetic3A_244, %and3A_247, %add3A_25], %gather3A_252 : memref<8x8x128xf32, #tpu.memory_space<vmem>>[vector<16xi32>, vector<16xi32>, vector<16xi32>], vector<16xf32>,
        %gather3A_253 = tpu.vector_load_idx %arg6[%add3A_28, %and3A_242] : memref<128x64xf32, #tpu.memory_space<vmem>>[vector<16xi32>, vector<16xi32>], vector<16xf32>,
        tpu.vector_store_idx %arg10[%shift_right_arithmetic3A_244, %and3A_247, %add3A_28], %gather3A_253 : memref<8x8x128xf32, #tpu.memory_space<vmem>>[vector<16xi32>, vector<16xi32>, vector<16xi32>], vector<16xf32>,
        %gather3A_254 = tpu.vector_load_idx %arg6[%add3A_31, %and3A_242] : memref<128x64xf32, #tpu.memory_space<vmem>>[vector<16xi32>, vector<16xi32>], vector<16xf32>,
        tpu.vector_store_idx %arg10[%shift_right_arithmetic3A_244, %and3A_247, %add3A_31], %gather3A_254 : memref<8x8x128xf32, #tpu.memory_space<vmem>>[vector<16xi32>, vector<16xi32>, vector<16xi32>], vector<16xf32>,
      }
      %scan3A_124 = arith.constant 64 : i32
      %dma_start3A_125 = arith.constant 0 : i32
      %dma_start3A_126 = arith.constant 0 : i32
      %dma_start3A_127 = arith.constant 0 : i32
      %dma_start3A_128 = tpu.memref_slice %arg4[%add3A_112, %dma_start3A_125, %add3A, %dma_start3A_126, %dma_start3A_127] : memref<200x8x32x8x128xf32, #tpu.memory_space<hbm>> -> memref<1x8x1x8x128xf32, #tpu.memory_space<hbm>>
      %dma_start3A_129 = tpu.memref_squeeze %dma_start3A_128 : memref<1x8x1x8x128xf32, #tpu.memory_space<hbm>> -> memref<8x8x128xf32, #tpu.memory_space<hbm>>
      %dma_start3A_130 = arith.constant 0 : i32
      %dma_start3A_131 = arith.constant 0 : i32
      %dma_start3A_132 = arith.constant 0 : i32
      %dma_start3A_133 = tpu.memref_slice %arg4[%add3A_112, %dma_start3A_130, %add3A, %dma_start3A_131, %dma_start3A_132] : memref<200x8x32x8x128xf32, #tpu.memory_space<hbm>> -> memref<1x8x1x8x128xf32, #tpu.memory_space<hbm>>
      %dma_start3A_134 = tpu.memref_squeeze %dma_start3A_133 : memref<1x8x1x8x128xf32, #tpu.memory_space<hbm>> -> memref<8x8x128xf32, #tpu.memory_space<hbm>>
      tpu.enqueue_dma source(%arg10 : memref<8x8x128xf32, #tpu.memory_space<vmem>>) target(%dma_start3A_134 : memref<8x8x128xf32, #tpu.memory_space<hbm>>) target_semaphore(%arg18 : memref<!tpu.dma_semaphore, #tpu.memory_space<semaphore_mem>>)
      %add3A_135 = arith.constant 4 : i32
      %add3A_136 = arith.addi %add3A_112, %add3A_135 : i32
      %lt3A = arith.constant 200 : i32
      %lt3A_137 = arith.cmpi slt, %add3A_136, %lt3A : i32
      %convert_element_type3A = arith.extui %lt3A_137 : i1 to i32
      %cond3A = arith.constant 0 : i32
      %cond3A_138 = arith.cmpi ne, %convert_element_type3A, %cond3A : i32
      scf.if %cond3A_138 {
        %dma_wait3A_238 = arith.constant 0 : i32
        %dma_wait3A_239 = arith.constant 0 : i32
        %dma_wait3A_240 = arith.constant 0 : i32
        %dma_wait3A_241 = tpu.memref_slice %arg4[%add3A_112, %dma_wait3A_238, %add3A, %dma_wait3A_239, %dma_wait3A_240] : memref<200x8x32x8x128xf32, #tpu.memory_space<hbm>> -> memref<1x8x1x8x128xf32, #tpu.memory_space<hbm>>
        %dma_wait3A_242 = tpu.memref_squeeze %dma_wait3A_241 : memref<1x8x1x8x128xf32, #tpu.memory_space<hbm>> -> memref<8x8x128xf32, #tpu.memory_space<hbm>>
        %dma_wait3A_243 = arith.constant 0 : i32
        %dma_wait3A_244 = arith.constant 0 : i32
        %dma_wait3A_245 = arith.constant 0 : i32
        %dma_wait3A_246 = tpu.memref_slice %arg4[%add3A_112, %dma_wait3A_243, %add3A, %dma_wait3A_244, %dma_wait3A_245] : memref<200x8x32x8x128xf32, #tpu.memory_space<hbm>> -> memref<1x8x1x8x128xf32, #tpu.memory_space<hbm>>
        %dma_wait3A_247 = tpu.memref_squeeze %dma_wait3A_246 : memref<1x8x1x8x128xf32, #tpu.memory_space<hbm>> -> memref<8x8x128xf32, #tpu.memory_space<hbm>>
        tpu.wait_dma2 semaphore(%arg18 : memref<!tpu.dma_semaphore, #tpu.memory_space<semaphore_mem>>) src(%arg10 : memref<8x8x128xf32, #tpu.memory_space<vmem>>) dst(%dma_wait3A_247 : memref<8x8x128xf32, #tpu.memory_space<hbm>>)
        %add3A_248 = arith.constant 4 : i32
        %add3A_249 = arith.addi %add3A_112, %add3A_248 : i32
        %dma_start3A_250 = arith.constant 0 : i32
        %dma_start3A_251 = tpu.memref_slice %arg5[%add3A_249, %dma_start3A_250] : memref<200x128xi32, #tpu.memory_space<vmem>> -> memref<1x128xi32, #tpu.memory_space<vmem>>
        %dma_start3A_252 = tpu.memref_squeeze %dma_start3A_251 : memref<1x128xi32, #tpu.memory_space<vmem>> -> memref<128xi32, #tpu.memory_space<vmem>>
        %dma_start3A_253 = arith.constant 0 : i32
        %dma_start3A_254 = arith.constant 0 : i32
        %dma_start3A_255 = tpu.memref_slice %arg3[%dma_start3A_253, %dma_start3A_254] : memref<1003520x64xf32, #tpu.memory_space<hbm>> -> memref<1003520x64xf32, #tpu.memory_space<hbm>>
        tpu.enqueue_indirect_dma source(%dma_start3A_255 : memref<1003520x64xf32, #tpu.memory_space<hbm>>) target(%arg6 : memref<128x64xf32, #tpu.memory_space<vmem>>) offsets(%dma_start3A_252 : memref<128xi32, #tpu.memory_space<vmem>>) semaphore(%arg14 : memref<!tpu.dma_semaphore, #tpu.memory_space<semaphore_mem>>)
      } else {
      }
      %mul3A_139 = arith.constant 4 : i32
      %mul3A_140 = arith.muli %scan3A_108, %mul3A_139 : i32
      %add3A_141 = arith.constant 1 : i32
      %add3A_142 = arith.addi %mul3A_140, %add3A_141 : i32
      %dma_wait3A_143 = arith.constant 0 : i32
      %dma_wait3A_144 = tpu.memref_slice %arg5[%add3A_142, %dma_wait3A_143] : memref<200x128xi32, #tpu.memory_space<vmem>> -> memref<1x128xi32, #tpu.memory_space<vmem>>
      %dma_wait3A_145 = tpu.memref_squeeze %dma_wait3A_144 : memref<1x128xi32, #tpu.memory_space<vmem>> -> memref<128xi32, #tpu.memory_space<vmem>>
      %dma_wait3A_146 = arith.constant 0 : i32
      %dma_wait3A_147 = arith.constant 0 : i32
      %dma_wait3A_148 = tpu.memref_slice %arg3[%dma_wait3A_146, %dma_wait3A_147] : memref<1003520x64xf32, #tpu.memory_space<hbm>> -> memref<1003520x64xf32, #tpu.memory_space<hbm>>
      tpu.wait_indirect_dma semaphore(%arg15 : memref<!tpu.dma_semaphore, #tpu.memory_space<semaphore_mem>>) src(%dma_wait3A_148 : memref<1003520x64xf32, #tpu.memory_space<hbm>>) dst(%arg7 : memref<128x64xf32, #tpu.memory_space<vmem>>)
      %scan3A_149 = arith.constant 0 : i32
      %scan3A_150 = arith.constant 0 : i32
      %scan3A_151 = arith.constant 64 : i32
      %scan3A_152 = arith.addi %scan3A_150, %scan3A_151 : i32
      %scan3A_153 = arith.constant 1 : i32
      scf.for %scan3A_238 = %scan3A_150 to %scan3A_152 step %scan3A_153  : i32 {
        %add3A_239 = vector.broadcast %scan3A_238 : i32 to vector<16xi32>
        %add3A_240 = arith.addi %iota3A, %add3A_239 : vector<16xi32>
        %and3A = arith.constant 63 : i32
        %and3A_241 = vector.broadcast %and3A : i32 to vector<16xi32>
        %and3A_242 = arith.andi %add3A_240, %and3A_241 : vector<16xi32>
        %shift_right_arithmetic3A = arith.constant 3 : i32
        %shift_right_arithmetic3A_243 = vector.broadcast %shift_right_arithmetic3A : i32 to vector<16xi32>
        %shift_right_arithmetic3A_244 = arith.shrsi %and3A_242, %shift_right_arithmetic3A_243 : vector<16xi32>
        %and3A_245 = arith.constant 7 : i32
        %and3A_246 = vector.broadcast %and3A_245 : i32 to vector<16xi32>
        %and3A_247 = arith.andi %and3A_242, %and3A_246 : vector<16xi32>
        %gather3A = tpu.vector_load_idx %arg7[%add3A_10, %and3A_242] : memref<128x64xf32, #tpu.memory_space<vmem>>[vector<16xi32>, vector<16xi32>], vector<16xf32>,
        tpu.vector_store_idx %arg11[%shift_right_arithmetic3A_244, %and3A_247, %add3A_10], %gather3A : memref<8x8x128xf32, #tpu.memory_space<vmem>>[vector<16xi32>, vector<16xi32>, vector<16xi32>], vector<16xf32>,
        %gather3A_248 = tpu.vector_load_idx %arg7[%add3A_13, %and3A_242] : memref<128x64xf32, #tpu.memory_space<vmem>>[vector<16xi32>, vector<16xi32>], vector<16xf32>,
        tpu.vector_store_idx %arg11[%shift_right_arithmetic3A_244, %and3A_247, %add3A_13], %gather3A_248 : memref<8x8x128xf32, #tpu.memory_space<vmem>>[vector<16xi32>, vector<16xi32>, vector<16xi32>], vector<16xf32>,
        %gather3A_249 = tpu.vector_load_idx %arg7[%add3A_16, %and3A_242] : memref<128x64xf32, #tpu.memory_space<vmem>>[vector<16xi32>, vector<16xi32>], vector<16xf32>,
        tpu.vector_store_idx %arg11[%shift_right_arithmetic3A_244, %and3A_247, %add3A_16], %gather3A_249 : memref<8x8x128xf32, #tpu.memory_space<vmem>>[vector<16xi32>, vector<16xi32>, vector<16xi32>], vector<16xf32>,
        %gather3A_250 = tpu.vector_load_idx %arg7[%add3A_19, %and3A_242] : memref<128x64xf32, #tpu.memory_space<vmem>>[vector<16xi32>, vector<16xi32>], vector<16xf32>,
        tpu.vector_store_idx %arg11[%shift_right_arithmetic3A_244, %and3A_247, %add3A_19], %gather3A_250 : memref<8x8x128xf32, #tpu.memory_space<vmem>>[vector<16xi32>, vector<16xi32>, vector<16xi32>], vector<16xf32>,
        %gather3A_251 = tpu.vector_load_idx %arg7[%add3A_22, %and3A_242] : memref<128x64xf32, #tpu.memory_space<vmem>>[vector<16xi32>, vector<16xi32>], vector<16xf32>,
        tpu.vector_store_idx %arg11[%shift_right_arithmetic3A_244, %and3A_247, %add3A_22], %gather3A_251 : memref<8x8x128xf32, #tpu.memory_space<vmem>>[vector<16xi32>, vector<16xi32>, vector<16xi32>], vector<16xf32>,
        %gather3A_252 = tpu.vector_load_idx %arg7[%add3A_25, %and3A_242] : memref<128x64xf32, #tpu.memory_space<vmem>>[vector<16xi32>, vector<16xi32>], vector<16xf32>,
        tpu.vector_store_idx %arg11[%shift_right_arithmetic3A_244, %and3A_247, %add3A_25], %gather3A_252 : memref<8x8x128xf32, #tpu.memory_space<vmem>>[vector<16xi32>, vector<16xi32>, vector<16xi32>], vector<16xf32>,
        %gather3A_253 = tpu.vector_load_idx %arg7[%add3A_28, %and3A_242] : memref<128x64xf32, #tpu.memory_space<vmem>>[vector<16xi32>, vector<16xi32>], vector<16xf32>,
        tpu.vector_store_idx %arg11[%shift_right_arithmetic3A_244, %and3A_247, %add3A_28], %gather3A_253 : memref<8x8x128xf32, #tpu.memory_space<vmem>>[vector<16xi32>, vector<16xi32>, vector<16xi32>], vector<16xf32>,
        %gather3A_254 = tpu.vector_load_idx %arg7[%add3A_31, %and3A_242] : memref<128x64xf32, #tpu.memory_space<vmem>>[vector<16xi32>, vector<16xi32>], vector<16xf32>,
        tpu.vector_store_idx %arg11[%shift_right_arithmetic3A_244, %and3A_247, %add3A_31], %gather3A_254 : memref<8x8x128xf32, #tpu.memory_space<vmem>>[vector<16xi32>, vector<16xi32>, vector<16xi32>], vector<16xf32>,
      }
      %scan3A_154 = arith.constant 64 : i32
      %dma_start3A_155 = arith.constant 0 : i32
      %dma_start3A_156 = arith.constant 0 : i32
      %dma_start3A_157 = arith.constant 0 : i32
      %dma_start3A_158 = tpu.memref_slice %arg4[%add3A_142, %dma_start3A_155, %add3A, %dma_start3A_156, %dma_start3A_157] : memref<200x8x32x8x128xf32, #tpu.memory_space<hbm>> -> memref<1x8x1x8x128xf32, #tpu.memory_space<hbm>>
      %dma_start3A_159 = tpu.memref_squeeze %dma_start3A_158 : memref<1x8x1x8x128xf32, #tpu.memory_space<hbm>> -> memref<8x8x128xf32, #tpu.memory_space<hbm>>
      %dma_start3A_160 = arith.constant 0 : i32
      %dma_start3A_161 = arith.constant 0 : i32
      %dma_start3A_162 = arith.constant 0 : i32
      %dma_start3A_163 = tpu.memref_slice %arg4[%add3A_142, %dma_start3A_160, %add3A, %dma_start3A_161, %dma_start3A_162] : memref<200x8x32x8x128xf32, #tpu.memory_space<hbm>> -> memref<1x8x1x8x128xf32, #tpu.memory_space<hbm>>
      %dma_start3A_164 = tpu.memref_squeeze %dma_start3A_163 : memref<1x8x1x8x128xf32, #tpu.memory_space<hbm>> -> memref<8x8x128xf32, #tpu.memory_space<hbm>>
      tpu.enqueue_dma source(%arg11 : memref<8x8x128xf32, #tpu.memory_space<vmem>>) target(%dma_start3A_164 : memref<8x8x128xf32, #tpu.memory_space<hbm>>) target_semaphore(%arg19 : memref<!tpu.dma_semaphore, #tpu.memory_space<semaphore_mem>>)
      %add3A_165 = arith.constant 4 : i32
      %add3A_166 = arith.addi %add3A_142, %add3A_165 : i32
      %lt3A_167 = arith.constant 200 : i32
      %lt3A_168 = arith.cmpi slt, %add3A_166, %lt3A_167 : i32
      %convert_element_type3A_169 = arith.extui %lt3A_168 : i1 to i32
      %cond3A_170 = arith.constant 0 : i32
      %cond3A_171 = arith.cmpi ne, %convert_element_type3A_169, %cond3A_170 : i32
      scf.if %cond3A_171 {
        %dma_wait3A_238 = arith.constant 0 : i32
        %dma_wait3A_239 = arith.constant 0 : i32
        %dma_wait3A_240 = arith.constant 0 : i32
        %dma_wait3A_241 = tpu.memref_slice %arg4[%add3A_142, %dma_wait3A_238, %add3A, %dma_wait3A_239, %dma_wait3A_240] : memref<200x8x32x8x128xf32, #tpu.memory_space<hbm>> -> memref<1x8x1x8x128xf32, #tpu.memory_space<hbm>>
        %dma_wait3A_242 = tpu.memref_squeeze %dma_wait3A_241 : memref<1x8x1x8x128xf32, #tpu.memory_space<hbm>> -> memref<8x8x128xf32, #tpu.memory_space<hbm>>
        %dma_wait3A_243 = arith.constant 0 : i32
        %dma_wait3A_244 = arith.constant 0 : i32
        %dma_wait3A_245 = arith.constant 0 : i32
        %dma_wait3A_246 = tpu.memref_slice %arg4[%add3A_142, %dma_wait3A_243, %add3A, %dma_wait3A_244, %dma_wait3A_245] : memref<200x8x32x8x128xf32, #tpu.memory_space<hbm>> -> memref<1x8x1x8x128xf32, #tpu.memory_space<hbm>>
        %dma_wait3A_247 = tpu.memref_squeeze %dma_wait3A_246 : memref<1x8x1x8x128xf32, #tpu.memory_space<hbm>> -> memref<8x8x128xf32, #tpu.memory_space<hbm>>
        tpu.wait_dma2 semaphore(%arg19 : memref<!tpu.dma_semaphore, #tpu.memory_space<semaphore_mem>>) src(%arg11 : memref<8x8x128xf32, #tpu.memory_space<vmem>>) dst(%dma_wait3A_247 : memref<8x8x128xf32, #tpu.memory_space<hbm>>)
        %add3A_248 = arith.constant 4 : i32
        %add3A_249 = arith.addi %add3A_142, %add3A_248 : i32
        %dma_start3A_250 = arith.constant 0 : i32
        %dma_start3A_251 = tpu.memref_slice %arg5[%add3A_249, %dma_start3A_250] : memref<200x128xi32, #tpu.memory_space<vmem>> -> memref<1x128xi32, #tpu.memory_space<vmem>>
        %dma_start3A_252 = tpu.memref_squeeze %dma_start3A_251 : memref<1x128xi32, #tpu.memory_space<vmem>> -> memref<128xi32, #tpu.memory_space<vmem>>
        %dma_start3A_253 = arith.constant 0 : i32
        %dma_start3A_254 = arith.constant 0 : i32
        %dma_start3A_255 = tpu.memref_slice %arg3[%dma_start3A_253, %dma_start3A_254] : memref<1003520x64xf32, #tpu.memory_space<hbm>> -> memref<1003520x64xf32, #tpu.memory_space<hbm>>
        tpu.enqueue_indirect_dma source(%dma_start3A_255 : memref<1003520x64xf32, #tpu.memory_space<hbm>>) target(%arg7 : memref<128x64xf32, #tpu.memory_space<vmem>>) offsets(%dma_start3A_252 : memref<128xi32, #tpu.memory_space<vmem>>) semaphore(%arg15 : memref<!tpu.dma_semaphore, #tpu.memory_space<semaphore_mem>>)
      } else {
      }
      %mul3A_172 = arith.constant 4 : i32
      %mul3A_173 = arith.muli %scan3A_108, %mul3A_172 : i32
      %add3A_174 = arith.constant 2 : i32
      %add3A_175 = arith.addi %mul3A_173, %add3A_174 : i32
      %dma_wait3A_176 = arith.constant 0 : i32
      %dma_wait3A_177 = tpu.memref_slice %arg5[%add3A_175, %dma_wait3A_176] : memref<200x128xi32, #tpu.memory_space<vmem>> -> memref<1x128xi32, #tpu.memory_space<vmem>>
      %dma_wait3A_178 = tpu.memref_squeeze %dma_wait3A_177 : memref<1x128xi32, #tpu.memory_space<vmem>> -> memref<128xi32, #tpu.memory_space<vmem>>
      %dma_wait3A_179 = arith.constant 0 : i32
      %dma_wait3A_180 = arith.constant 0 : i32
      %dma_wait3A_181 = tpu.memref_slice %arg3[%dma_wait3A_179, %dma_wait3A_180] : memref<1003520x64xf32, #tpu.memory_space<hbm>> -> memref<1003520x64xf32, #tpu.memory_space<hbm>>
      tpu.wait_indirect_dma semaphore(%arg16 : memref<!tpu.dma_semaphore, #tpu.memory_space<semaphore_mem>>) src(%dma_wait3A_181 : memref<1003520x64xf32, #tpu.memory_space<hbm>>) dst(%arg8 : memref<128x64xf32, #tpu.memory_space<vmem>>)
      %scan3A_182 = arith.constant 0 : i32
      %scan3A_183 = arith.constant 0 : i32
      %scan3A_184 = arith.constant 64 : i32
      %scan3A_185 = arith.addi %scan3A_183, %scan3A_184 : i32
      %scan3A_186 = arith.constant 1 : i32
      scf.for %scan3A_238 = %scan3A_183 to %scan3A_185 step %scan3A_186  : i32 {
        %add3A_239 = vector.broadcast %scan3A_238 : i32 to vector<16xi32>
        %add3A_240 = arith.addi %iota3A, %add3A_239 : vector<16xi32>
        %and3A = arith.constant 63 : i32
        %and3A_241 = vector.broadcast %and3A : i32 to vector<16xi32>
        %and3A_242 = arith.andi %add3A_240, %and3A_241 : vector<16xi32>
        %shift_right_arithmetic3A = arith.constant 3 : i32
        %shift_right_arithmetic3A_243 = vector.broadcast %shift_right_arithmetic3A : i32 to vector<16xi32>
        %shift_right_arithmetic3A_244 = arith.shrsi %and3A_242, %shift_right_arithmetic3A_243 : vector<16xi32>
        %and3A_245 = arith.constant 7 : i32
        %and3A_246 = vector.broadcast %and3A_245 : i32 to vector<16xi32>
        %and3A_247 = arith.andi %and3A_242, %and3A_246 : vector<16xi32>
        %gather3A = tpu.vector_load_idx %arg8[%add3A_10, %and3A_242] : memref<128x64xf32, #tpu.memory_space<vmem>>[vector<16xi32>, vector<16xi32>], vector<16xf32>,
        tpu.vector_store_idx %arg12[%shift_right_arithmetic3A_244, %and3A_247, %add3A_10], %gather3A : memref<8x8x128xf32, #tpu.memory_space<vmem>>[vector<16xi32>, vector<16xi32>, vector<16xi32>], vector<16xf32>,
        %gather3A_248 = tpu.vector_load_idx %arg8[%add3A_13, %and3A_242] : memref<128x64xf32, #tpu.memory_space<vmem>>[vector<16xi32>, vector<16xi32>], vector<16xf32>,
        tpu.vector_store_idx %arg12[%shift_right_arithmetic3A_244, %and3A_247, %add3A_13], %gather3A_248 : memref<8x8x128xf32, #tpu.memory_space<vmem>>[vector<16xi32>, vector<16xi32>, vector<16xi32>], vector<16xf32>,
        %gather3A_249 = tpu.vector_load_idx %arg8[%add3A_16, %and3A_242] : memref<128x64xf32, #tpu.memory_space<vmem>>[vector<16xi32>, vector<16xi32>], vector<16xf32>,
        tpu.vector_store_idx %arg12[%shift_right_arithmetic3A_244, %and3A_247, %add3A_16], %gather3A_249 : memref<8x8x128xf32, #tpu.memory_space<vmem>>[vector<16xi32>, vector<16xi32>, vector<16xi32>], vector<16xf32>,
        %gather3A_250 = tpu.vector_load_idx %arg8[%add3A_19, %and3A_242] : memref<128x64xf32, #tpu.memory_space<vmem>>[vector<16xi32>, vector<16xi32>], vector<16xf32>,
        tpu.vector_store_idx %arg12[%shift_right_arithmetic3A_244, %and3A_247, %add3A_19], %gather3A_250 : memref<8x8x128xf32, #tpu.memory_space<vmem>>[vector<16xi32>, vector<16xi32>, vector<16xi32>], vector<16xf32>,
        %gather3A_251 = tpu.vector_load_idx %arg8[%add3A_22, %and3A_242] : memref<128x64xf32, #tpu.memory_space<vmem>>[vector<16xi32>, vector<16xi32>], vector<16xf32>,
        tpu.vector_store_idx %arg12[%shift_right_arithmetic3A_244, %and3A_247, %add3A_22], %gather3A_251 : memref<8x8x128xf32, #tpu.memory_space<vmem>>[vector<16xi32>, vector<16xi32>, vector<16xi32>], vector<16xf32>,
        %gather3A_252 = tpu.vector_load_idx %arg8[%add3A_25, %and3A_242] : memref<128x64xf32, #tpu.memory_space<vmem>>[vector<16xi32>, vector<16xi32>], vector<16xf32>,
        tpu.vector_store_idx %arg12[%shift_right_arithmetic3A_244, %and3A_247, %add3A_25], %gather3A_252 : memref<8x8x128xf32, #tpu.memory_space<vmem>>[vector<16xi32>, vector<16xi32>, vector<16xi32>], vector<16xf32>,
        %gather3A_253 = tpu.vector_load_idx %arg8[%add3A_28, %and3A_242] : memref<128x64xf32, #tpu.memory_space<vmem>>[vector<16xi32>, vector<16xi32>], vector<16xf32>,
        tpu.vector_store_idx %arg12[%shift_right_arithmetic3A_244, %and3A_247, %add3A_28], %gather3A_253 : memref<8x8x128xf32, #tpu.memory_space<vmem>>[vector<16xi32>, vector<16xi32>, vector<16xi32>], vector<16xf32>,
        %gather3A_254 = tpu.vector_load_idx %arg8[%add3A_31, %and3A_242] : memref<128x64xf32, #tpu.memory_space<vmem>>[vector<16xi32>, vector<16xi32>], vector<16xf32>,
        tpu.vector_store_idx %arg12[%shift_right_arithmetic3A_244, %and3A_247, %add3A_31], %gather3A_254 : memref<8x8x128xf32, #tpu.memory_space<vmem>>[vector<16xi32>, vector<16xi32>, vector<16xi32>], vector<16xf32>,
      }
      %scan3A_187 = arith.constant 64 : i32
      %dma_start3A_188 = arith.constant 0 : i32
      %dma_start3A_189 = arith.constant 0 : i32
      %dma_start3A_190 = arith.constant 0 : i32
      %dma_start3A_191 = tpu.memref_slice %arg4[%add3A_175, %dma_start3A_188, %add3A, %dma_start3A_189, %dma_start3A_190] : memref<200x8x32x8x128xf32, #tpu.memory_space<hbm>> -> memref<1x8x1x8x128xf32, #tpu.memory_space<hbm>>
      %dma_start3A_192 = tpu.memref_squeeze %dma_start3A_191 : memref<1x8x1x8x128xf32, #tpu.memory_space<hbm>> -> memref<8x8x128xf32, #tpu.memory_space<hbm>>
      %dma_start3A_193 = arith.constant 0 : i32
      %dma_start3A_194 = arith.constant 0 : i32
      %dma_start3A_195 = arith.constant 0 : i32
      %dma_start3A_196 = tpu.memref_slice %arg4[%add3A_175, %dma_start3A_193, %add3A, %dma_start3A_194, %dma_start3A_195] : memref<200x8x32x8x128xf32, #tpu.memory_space<hbm>> -> memref<1x8x1x8x128xf32, #tpu.memory_space<hbm>>
      %dma_start3A_197 = tpu.memref_squeeze %dma_start3A_196 : memref<1x8x1x8x128xf32, #tpu.memory_space<hbm>> -> memref<8x8x128xf32, #tpu.memory_space<hbm>>
      tpu.enqueue_dma source(%arg12 : memref<8x8x128xf32, #tpu.memory_space<vmem>>) target(%dma_start3A_197 : memref<8x8x128xf32, #tpu.memory_space<hbm>>) target_semaphore(%arg20 : memref<!tpu.dma_semaphore, #tpu.memory_space<semaphore_mem>>)
      %add3A_198 = arith.constant 4 : i32
      %add3A_199 = arith.addi %add3A_175, %add3A_198 : i32
      %lt3A_200 = arith.constant 200 : i32
      %lt3A_201 = arith.cmpi slt, %add3A_199, %lt3A_200 : i32
      %convert_element_type3A_202 = arith.extui %lt3A_201 : i1 to i32
      %cond3A_203 = arith.constant 0 : i32
      %cond3A_204 = arith.cmpi ne, %convert_element_type3A_202, %cond3A_203 : i32
      scf.if %cond3A_204 {
        %dma_wait3A_238 = arith.constant 0 : i32
        %dma_wait3A_239 = arith.constant 0 : i32
        %dma_wait3A_240 = arith.constant 0 : i32
        %dma_wait3A_241 = tpu.memref_slice %arg4[%add3A_175, %dma_wait3A_238, %add3A, %dma_wait3A_239, %dma_wait3A_240] : memref<200x8x32x8x128xf32, #tpu.memory_space<hbm>> -> memref<1x8x1x8x128xf32, #tpu.memory_space<hbm>>
        %dma_wait3A_242 = tpu.memref_squeeze %dma_wait3A_241 : memref<1x8x1x8x128xf32, #tpu.memory_space<hbm>> -> memref<8x8x128xf32, #tpu.memory_space<hbm>>
        %dma_wait3A_243 = arith.constant 0 : i32
        %dma_wait3A_244 = arith.constant 0 : i32
        %dma_wait3A_245 = arith.constant 0 : i32
        %dma_wait3A_246 = tpu.memref_slice %arg4[%add3A_175, %dma_wait3A_243, %add3A, %dma_wait3A_244, %dma_wait3A_245] : memref<200x8x32x8x128xf32, #tpu.memory_space<hbm>> -> memref<1x8x1x8x128xf32, #tpu.memory_space<hbm>>
        %dma_wait3A_247 = tpu.memref_squeeze %dma_wait3A_246 : memref<1x8x1x8x128xf32, #tpu.memory_space<hbm>> -> memref<8x8x128xf32, #tpu.memory_space<hbm>>
        tpu.wait_dma2 semaphore(%arg20 : memref<!tpu.dma_semaphore, #tpu.memory_space<semaphore_mem>>) src(%arg12 : memref<8x8x128xf32, #tpu.memory_space<vmem>>) dst(%dma_wait3A_247 : memref<8x8x128xf32, #tpu.memory_space<hbm>>)
        %add3A_248 = arith.constant 4 : i32
        %add3A_249 = arith.addi %add3A_175, %add3A_248 : i32
        %dma_start3A_250 = arith.constant 0 : i32
        %dma_start3A_251 = tpu.memref_slice %arg5[%add3A_249, %dma_start3A_250] : memref<200x128xi32, #tpu.memory_space<vmem>> -> memref<1x128xi32, #tpu.memory_space<vmem>>
        %dma_start3A_252 = tpu.memref_squeeze %dma_start3A_251 : memref<1x128xi32, #tpu.memory_space<vmem>> -> memref<128xi32, #tpu.memory_space<vmem>>
        %dma_start3A_253 = arith.constant 0 : i32
        %dma_start3A_254 = arith.constant 0 : i32
        %dma_start3A_255 = tpu.memref_slice %arg3[%dma_start3A_253, %dma_start3A_254] : memref<1003520x64xf32, #tpu.memory_space<hbm>> -> memref<1003520x64xf32, #tpu.memory_space<hbm>>
        tpu.enqueue_indirect_dma source(%dma_start3A_255 : memref<1003520x64xf32, #tpu.memory_space<hbm>>) target(%arg8 : memref<128x64xf32, #tpu.memory_space<vmem>>) offsets(%dma_start3A_252 : memref<128xi32, #tpu.memory_space<vmem>>) semaphore(%arg16 : memref<!tpu.dma_semaphore, #tpu.memory_space<semaphore_mem>>)
      } else {
      }
      %mul3A_205 = arith.constant 4 : i32
      %mul3A_206 = arith.muli %scan3A_108, %mul3A_205 : i32
      %add3A_207 = arith.constant 3 : i32
      %add3A_208 = arith.addi %mul3A_206, %add3A_207 : i32
      %dma_wait3A_209 = arith.constant 0 : i32
      %dma_wait3A_210 = tpu.memref_slice %arg5[%add3A_208, %dma_wait3A_209] : memref<200x128xi32, #tpu.memory_space<vmem>> -> memref<1x128xi32, #tpu.memory_space<vmem>>
      %dma_wait3A_211 = tpu.memref_squeeze %dma_wait3A_210 : memref<1x128xi32, #tpu.memory_space<vmem>> -> memref<128xi32, #tpu.memory_space<vmem>>
      %dma_wait3A_212 = arith.constant 0 : i32
      %dma_wait3A_213 = arith.constant 0 : i32
      %dma_wait3A_214 = tpu.memref_slice %arg3[%dma_wait3A_212, %dma_wait3A_213] : memref<1003520x64xf32, #tpu.memory_space<hbm>> -> memref<1003520x64xf32, #tpu.memory_space<hbm>>
      tpu.wait_indirect_dma semaphore(%arg17 : memref<!tpu.dma_semaphore, #tpu.memory_space<semaphore_mem>>) src(%dma_wait3A_214 : memref<1003520x64xf32, #tpu.memory_space<hbm>>) dst(%arg9 : memref<128x64xf32, #tpu.memory_space<vmem>>)
      %scan3A_215 = arith.constant 0 : i32
      %scan3A_216 = arith.constant 0 : i32
      %scan3A_217 = arith.constant 64 : i32
      %scan3A_218 = arith.addi %scan3A_216, %scan3A_217 : i32
      %scan3A_219 = arith.constant 1 : i32
      scf.for %scan3A_238 = %scan3A_216 to %scan3A_218 step %scan3A_219  : i32 {
        %add3A_239 = vector.broadcast %scan3A_238 : i32 to vector<16xi32>
        %add3A_240 = arith.addi %iota3A, %add3A_239 : vector<16xi32>
        %and3A = arith.constant 63 : i32
        %and3A_241 = vector.broadcast %and3A : i32 to vector<16xi32>
        %and3A_242 = arith.andi %add3A_240, %and3A_241 : vector<16xi32>
        %shift_right_arithmetic3A = arith.constant 3 : i32
        %shift_right_arithmetic3A_243 = vector.broadcast %shift_right_arithmetic3A : i32 to vector<16xi32>
        %shift_right_arithmetic3A_244 = arith.shrsi %and3A_242, %shift_right_arithmetic3A_243 : vector<16xi32>
        %and3A_245 = arith.constant 7 : i32
        %and3A_246 = vector.broadcast %and3A_245 : i32 to vector<16xi32>
        %and3A_247 = arith.andi %and3A_242, %and3A_246 : vector<16xi32>
        %gather3A = tpu.vector_load_idx %arg9[%add3A_10, %and3A_242] : memref<128x64xf32, #tpu.memory_space<vmem>>[vector<16xi32>, vector<16xi32>], vector<16xf32>,
        tpu.vector_store_idx %arg13[%shift_right_arithmetic3A_244, %and3A_247, %add3A_10], %gather3A : memref<8x8x128xf32, #tpu.memory_space<vmem>>[vector<16xi32>, vector<16xi32>, vector<16xi32>], vector<16xf32>,
        %gather3A_248 = tpu.vector_load_idx %arg9[%add3A_13, %and3A_242] : memref<128x64xf32, #tpu.memory_space<vmem>>[vector<16xi32>, vector<16xi32>], vector<16xf32>,
        tpu.vector_store_idx %arg13[%shift_right_arithmetic3A_244, %and3A_247, %add3A_13], %gather3A_248 : memref<8x8x128xf32, #tpu.memory_space<vmem>>[vector<16xi32>, vector<16xi32>, vector<16xi32>], vector<16xf32>,
        %gather3A_249 = tpu.vector_load_idx %arg9[%add3A_16, %and3A_242] : memref<128x64xf32, #tpu.memory_space<vmem>>[vector<16xi32>, vector<16xi32>], vector<16xf32>,
        tpu.vector_store_idx %arg13[%shift_right_arithmetic3A_244, %and3A_247, %add3A_16], %gather3A_249 : memref<8x8x128xf32, #tpu.memory_space<vmem>>[vector<16xi32>, vector<16xi32>, vector<16xi32>], vector<16xf32>,
        %gather3A_250 = tpu.vector_load_idx %arg9[%add3A_19, %and3A_242] : memref<128x64xf32, #tpu.memory_space<vmem>>[vector<16xi32>, vector<16xi32>], vector<16xf32>,
        tpu.vector_store_idx %arg13[%shift_right_arithmetic3A_244, %and3A_247, %add3A_19], %gather3A_250 : memref<8x8x128xf32, #tpu.memory_space<vmem>>[vector<16xi32>, vector<16xi32>, vector<16xi32>], vector<16xf32>,
        %gather3A_251 = tpu.vector_load_idx %arg9[%add3A_22, %and3A_242] : memref<128x64xf32, #tpu.memory_space<vmem>>[vector<16xi32>, vector<16xi32>], vector<16xf32>,
        tpu.vector_store_idx %arg13[%shift_right_arithmetic3A_244, %and3A_247, %add3A_22], %gather3A_251 : memref<8x8x128xf32, #tpu.memory_space<vmem>>[vector<16xi32>, vector<16xi32>, vector<16xi32>], vector<16xf32>,
        %gather3A_252 = tpu.vector_load_idx %arg9[%add3A_25, %and3A_242] : memref<128x64xf32, #tpu.memory_space<vmem>>[vector<16xi32>, vector<16xi32>], vector<16xf32>,
        tpu.vector_store_idx %arg13[%shift_right_arithmetic3A_244, %and3A_247, %add3A_25], %gather3A_252 : memref<8x8x128xf32, #tpu.memory_space<vmem>>[vector<16xi32>, vector<16xi32>, vector<16xi32>], vector<16xf32>,
        %gather3A_253 = tpu.vector_load_idx %arg9[%add3A_28, %and3A_242] : memref<128x64xf32, #tpu.memory_space<vmem>>[vector<16xi32>, vector<16xi32>], vector<16xf32>,
        tpu.vector_store_idx %arg13[%shift_right_arithmetic3A_244, %and3A_247, %add3A_28], %gather3A_253 : memref<8x8x128xf32, #tpu.memory_space<vmem>>[vector<16xi32>, vector<16xi32>, vector<16xi32>], vector<16xf32>,
        %gather3A_254 = tpu.vector_load_idx %arg9[%add3A_31, %and3A_242] : memref<128x64xf32, #tpu.memory_space<vmem>>[vector<16xi32>, vector<16xi32>], vector<16xf32>,
        tpu.vector_store_idx %arg13[%shift_right_arithmetic3A_244, %and3A_247, %add3A_31], %gather3A_254 : memref<8x8x128xf32, #tpu.memory_space<vmem>>[vector<16xi32>, vector<16xi32>, vector<16xi32>], vector<16xf32>,
      }
      %scan3A_220 = arith.constant 64 : i32
      %dma_start3A_221 = arith.constant 0 : i32
      %dma_start3A_222 = arith.constant 0 : i32
      %dma_start3A_223 = arith.constant 0 : i32
      %dma_start3A_224 = tpu.memref_slice %arg4[%add3A_208, %dma_start3A_221, %add3A, %dma_start3A_222, %dma_start3A_223] : memref<200x8x32x8x128xf32, #tpu.memory_space<hbm>> -> memref<1x8x1x8x128xf32, #tpu.memory_space<hbm>>
      %dma_start3A_225 = tpu.memref_squeeze %dma_start3A_224 : memref<1x8x1x8x128xf32, #tpu.memory_space<hbm>> -> memref<8x8x128xf32, #tpu.memory_space<hbm>>
      %dma_start3A_226 = arith.constant 0 : i32
      %dma_start3A_227 = arith.constant 0 : i32
      %dma_start3A_228 = arith.constant 0 : i32
      %dma_start3A_229 = tpu.memref_slice %arg4[%add3A_208, %dma_start3A_226, %add3A, %dma_start3A_227, %dma_start3A_228] : memref<200x8x32x8x128xf32, #tpu.memory_space<hbm>> -> memref<1x8x1x8x128xf32, #tpu.memory_space<hbm>>
      %dma_start3A_230 = tpu.memref_squeeze %dma_start3A_229 : memref<1x8x1x8x128xf32, #tpu.memory_space<hbm>> -> memref<8x8x128xf32, #tpu.memory_space<hbm>>
      tpu.enqueue_dma source(%arg13 : memref<8x8x128xf32, #tpu.memory_space<vmem>>) target(%dma_start3A_230 : memref<8x8x128xf32, #tpu.memory_space<hbm>>) target_semaphore(%arg21 : memref<!tpu.dma_semaphore, #tpu.memory_space<semaphore_mem>>)
      %add3A_231 = arith.constant 4 : i32
      %add3A_232 = arith.addi %add3A_208, %add3A_231 : i32
      %lt3A_233 = arith.constant 200 : i32
      %lt3A_234 = arith.cmpi slt, %add3A_232, %lt3A_233 : i32
      %convert_element_type3A_235 = arith.extui %lt3A_234 : i1 to i32
      %cond3A_236 = arith.constant 0 : i32
      %cond3A_237 = arith.cmpi ne, %convert_element_type3A_235, %cond3A_236 : i32
      scf.if %cond3A_237 {
        %dma_wait3A_238 = arith.constant 0 : i32
        %dma_wait3A_239 = arith.constant 0 : i32
        %dma_wait3A_240 = arith.constant 0 : i32
        %dma_wait3A_241 = tpu.memref_slice %arg4[%add3A_208, %dma_wait3A_238, %add3A, %dma_wait3A_239, %dma_wait3A_240] : memref<200x8x32x8x128xf32, #tpu.memory_space<hbm>> -> memref<1x8x1x8x128xf32, #tpu.memory_space<hbm>>
        %dma_wait3A_242 = tpu.memref_squeeze %dma_wait3A_241 : memref<1x8x1x8x128xf32, #tpu.memory_space<hbm>> -> memref<8x8x128xf32, #tpu.memory_space<hbm>>
        %dma_wait3A_243 = arith.constant 0 : i32
        %dma_wait3A_244 = arith.constant 0 : i32
        %dma_wait3A_245 = arith.constant 0 : i32
        %dma_wait3A_246 = tpu.memref_slice %arg4[%add3A_208, %dma_wait3A_243, %add3A, %dma_wait3A_244, %dma_wait3A_245] : memref<200x8x32x8x128xf32, #tpu.memory_space<hbm>> -> memref<1x8x1x8x128xf32, #tpu.memory_space<hbm>>
        %dma_wait3A_247 = tpu.memref_squeeze %dma_wait3A_246 : memref<1x8x1x8x128xf32, #tpu.memory_space<hbm>> -> memref<8x8x128xf32, #tpu.memory_space<hbm>>
        tpu.wait_dma2 semaphore(%arg21 : memref<!tpu.dma_semaphore, #tpu.memory_space<semaphore_mem>>) src(%arg13 : memref<8x8x128xf32, #tpu.memory_space<vmem>>) dst(%dma_wait3A_247 : memref<8x8x128xf32, #tpu.memory_space<hbm>>)
        %add3A_248 = arith.constant 4 : i32
        %add3A_249 = arith.addi %add3A_208, %add3A_248 : i32
        %dma_start3A_250 = arith.constant 0 : i32
        %dma_start3A_251 = tpu.memref_slice %arg5[%add3A_249, %dma_start3A_250] : memref<200x128xi32, #tpu.memory_space<vmem>> -> memref<1x128xi32, #tpu.memory_space<vmem>>
        %dma_start3A_252 = tpu.memref_squeeze %dma_start3A_251 : memref<1x128xi32, #tpu.memory_space<vmem>> -> memref<128xi32, #tpu.memory_space<vmem>>
        %dma_start3A_253 = arith.constant 0 : i32
        %dma_start3A_254 = arith.constant 0 : i32
        %dma_start3A_255 = tpu.memref_slice %arg3[%dma_start3A_253, %dma_start3A_254] : memref<1003520x64xf32, #tpu.memory_space<hbm>> -> memref<1003520x64xf32, #tpu.memory_space<hbm>>
        tpu.enqueue_indirect_dma source(%dma_start3A_255 : memref<1003520x64xf32, #tpu.memory_space<hbm>>) target(%arg9 : memref<128x64xf32, #tpu.memory_space<vmem>>) offsets(%dma_start3A_252 : memref<128xi32, #tpu.memory_space<vmem>>) semaphore(%arg17 : memref<!tpu.dma_semaphore, #tpu.memory_space<semaphore_mem>>)
      } else {
      }
    }
    %scan3A_64 = arith.constant 50 : i32
    %dma_wait3A = arith.constant 196 : i32
    %dma_wait3A_65 = arith.constant 0 : i32
    %dma_wait3A_66 = arith.constant 0 : i32
    %dma_wait3A_67 = arith.constant 0 : i32
    %dma_wait3A_68 = tpu.memref_slice %arg4[%dma_wait3A, %dma_wait3A_65, %add3A, %dma_wait3A_66, %dma_wait3A_67] : memref<200x8x32x8x128xf32, #tpu.memory_space<hbm>> -> memref<1x8x1x8x128xf32, #tpu.memory_space<hbm>>
    %dma_wait3A_69 = tpu.memref_squeeze %dma_wait3A_68 : memref<1x8x1x8x128xf32, #tpu.memory_space<hbm>> -> memref<8x8x128xf32, #tpu.memory_space<hbm>>
    %dma_wait3A_70 = arith.constant 0 : i32
    %dma_wait3A_71 = arith.constant 0 : i32
    %dma_wait3A_72 = arith.constant 0 : i32
    %dma_wait3A_73 = tpu.memref_slice %arg4[%dma_wait3A, %dma_wait3A_70, %add3A, %dma_wait3A_71, %dma_wait3A_72] : memref<200x8x32x8x128xf32, #tpu.memory_space<hbm>> -> memref<1x8x1x8x128xf32, #tpu.memory_space<hbm>>
    %dma_wait3A_74 = tpu.memref_squeeze %dma_wait3A_73 : memref<1x8x1x8x128xf32, #tpu.memory_space<hbm>> -> memref<8x8x128xf32, #tpu.memory_space<hbm>>
    tpu.wait_dma2 semaphore(%arg18 : memref<!tpu.dma_semaphore, #tpu.memory_space<semaphore_mem>>) src(%arg10 : memref<8x8x128xf32, #tpu.memory_space<vmem>>) dst(%dma_wait3A_74 : memref<8x8x128xf32, #tpu.memory_space<hbm>>)
    %dma_wait3A_75 = arith.constant 197 : i32
    %dma_wait3A_76 = arith.constant 0 : i32
    %dma_wait3A_77 = arith.constant 0 : i32
    %dma_wait3A_78 = arith.constant 0 : i32
    %dma_wait3A_79 = tpu.memref_slice %arg4[%dma_wait3A_75, %dma_wait3A_76, %add3A, %dma_wait3A_77, %dma_wait3A_78] : memref<200x8x32x8x128xf32, #tpu.memory_space<hbm>> -> memref<1x8x1x8x128xf32, #tpu.memory_space<hbm>>
    %dma_wait3A_80 = tpu.memref_squeeze %dma_wait3A_79 : memref<1x8x1x8x128xf32, #tpu.memory_space<hbm>> -> memref<8x8x128xf32, #tpu.memory_space<hbm>>
    %dma_wait3A_81 = arith.constant 0 : i32
    %dma_wait3A_82 = arith.constant 0 : i32
    %dma_wait3A_83 = arith.constant 0 : i32
    %dma_wait3A_84 = tpu.memref_slice %arg4[%dma_wait3A_75, %dma_wait3A_81, %add3A, %dma_wait3A_82, %dma_wait3A_83] : memref<200x8x32x8x128xf32, #tpu.memory_space<hbm>> -> memref<1x8x1x8x128xf32, #tpu.memory_space<hbm>>
    %dma_wait3A_85 = tpu.memref_squeeze %dma_wait3A_84 : memref<1x8x1x8x128xf32, #tpu.memory_space<hbm>> -> memref<8x8x128xf32, #tpu.memory_space<hbm>>
    tpu.wait_dma2 semaphore(%arg19 : memref<!tpu.dma_semaphore, #tpu.memory_space<semaphore_mem>>) src(%arg11 : memref<8x8x128xf32, #tpu.memory_space<vmem>>) dst(%dma_wait3A_85 : memref<8x8x128xf32, #tpu.memory_space<hbm>>)
    %dma_wait3A_86 = arith.constant 198 : i32
    %dma_wait3A_87 = arith.constant 0 : i32
    %dma_wait3A_88 = arith.constant 0 : i32
    %dma_wait3A_89 = arith.constant 0 : i32
    %dma_wait3A_90 = tpu.memref_slice %arg4[%dma_wait3A_86, %dma_wait3A_87, %add3A, %dma_wait3A_88, %dma_wait3A_89] : memref<200x8x32x8x128xf32, #tpu.memory_space<hbm>> -> memref<1x8x1x8x128xf32, #tpu.memory_space<hbm>>
    %dma_wait3A_91 = tpu.memref_squeeze %dma_wait3A_90 : memref<1x8x1x8x128xf32, #tpu.memory_space<hbm>> -> memref<8x8x128xf32, #tpu.memory_space<hbm>>
    %dma_wait3A_92 = arith.constant 0 : i32
    %dma_wait3A_93 = arith.constant 0 : i32
    %dma_wait3A_94 = arith.constant 0 : i32
    %dma_wait3A_95 = tpu.memref_slice %arg4[%dma_wait3A_86, %dma_wait3A_92, %add3A, %dma_wait3A_93, %dma_wait3A_94] : memref<200x8x32x8x128xf32, #tpu.memory_space<hbm>> -> memref<1x8x1x8x128xf32, #tpu.memory_space<hbm>>
    %dma_wait3A_96 = tpu.memref_squeeze %dma_wait3A_95 : memref<1x8x1x8x128xf32, #tpu.memory_space<hbm>> -> memref<8x8x128xf32, #tpu.memory_space<hbm>>
    tpu.wait_dma2 semaphore(%arg20 : memref<!tpu.dma_semaphore, #tpu.memory_space<semaphore_mem>>) src(%arg12 : memref<8x8x128xf32, #tpu.memory_space<vmem>>) dst(%dma_wait3A_96 : memref<8x8x128xf32, #tpu.memory_space<hbm>>)
    %dma_wait3A_97 = arith.constant 199 : i32
    %dma_wait3A_98 = arith.constant 0 : i32
    %dma_wait3A_99 = arith.constant 0 : i32
    %dma_wait3A_100 = arith.constant 0 : i32
    %dma_wait3A_101 = tpu.memref_slice %arg4[%dma_wait3A_97, %dma_wait3A_98, %add3A, %dma_wait3A_99, %dma_wait3A_100] : memref<200x8x32x8x128xf32, #tpu.memory_space<hbm>> -> memref<1x8x1x8x128xf32, #tpu.memory_space<hbm>>
    %dma_wait3A_102 = tpu.memref_squeeze %dma_wait3A_101 : memref<1x8x1x8x128xf32, #tpu.memory_space<hbm>> -> memref<8x8x128xf32, #tpu.memory_space<hbm>>
    %dma_wait3A_103 = arith.constant 0 : i32
    %dma_wait3A_104 = arith.constant 0 : i32
    %dma_wait3A_105 = arith.constant 0 : i32
    %dma_wait3A_106 = tpu.memref_slice %arg4[%dma_wait3A_97, %dma_wait3A_103, %add3A, %dma_wait3A_104, %dma_wait3A_105] : memref<200x8x32x8x128xf32, #tpu.memory_space<hbm>> -> memref<1x8x1x8x128xf32, #tpu.memory_space<hbm>>
    %dma_wait3A_107 = tpu.memref_squeeze %dma_wait3A_106 : memref<1x8x1x8x128xf32, #tpu.memory_space<hbm>> -> memref<8x8x128xf32, #tpu.memory_space<hbm>>
    tpu.wait_dma2 semaphore(%arg21 : memref<!tpu.dma_semaphore, #tpu.memory_space<semaphore_mem>>) src(%arg13 : memref<8x8x128xf32, #tpu.memory_space<vmem>>) dst(%dma_wait3A_107 : memref<8x8x128xf32, #tpu.memory_space<hbm>>)
    return
  }
}

module attributes {stable_mosaic.version = 14 : i64} {
  func.func @_k1_body(%arg0: i32, %arg1: memref<64x4096xf32, #tpu.memory_space<vmem>>, %arg2: memref<2048x128xf32, #tpu.memory_space<vmem>>) attributes {dimension_semantics = [#tpu.dimension_semantics<parallel>], iteration_bounds = array<i64: 245>, scalar_prefetch = 0 : i64, scratch_operands = 0 : i64, tpu.core_type = #tpu.core_type<tc>, window_params = [{transform_indices = @transform_0, window_bounds = array<i64: 64, 4096>}, {transform_indices = @transform_1, window_bounds = array<i64: 2048, 128>}]} {
    %get3A = arith.constant 0 : index
    %get3A_0 = arith.constant 0 : index
    %get3A_1 = vector.load %arg1[%get3A, %get3A_0] : memref<64x4096xf32, #tpu.memory_space<vmem>>, vector<64x4096xf32>
    %mul3A = arith.constant 4096 : i32
    %mul3A_2 = arith.muli %arg0, %mul3A : i32
    %iota3A = tpu.iota {dimensions = array<i32: 1>} : vector<64x4096xi32>
    %add3A = vector.broadcast %mul3A_2 : i32 to vector<64x4096xi32>
    %add3A_3 = arith.addi %iota3A, %add3A : vector<64x4096xi32>
    %lt3A = arith.constant 1000000 : i32
    %lt3A_4 = vector.broadcast %lt3A : i32 to vector<64x4096xi32>
    %lt3A_5 = arith.cmpi slt, %add3A_3, %lt3A_4 : vector<64x4096xi32>
    %jit3A = arith.constant 0.000000e+00 : f32
    %broadcast_in_dim3A = vector.broadcast %jit3A : f32 to vector<64x4096xf32>
    %select_n3A = arith.select %lt3A_5, %get3A_1, %broadcast_in_dim3A : vector<64x4096xi1>, vector<64x4096xf32>
    %slice3A = vector.extract_strided_slice %select_n3A {offsets = [0, 0], sizes = [64, 2048], strides = [1, 1]} : vector<64x4096xf32> to vector<64x2048xf32>
    %slice3A_6 = vector.extract_strided_slice %select_n3A {offsets = [0, 2048], sizes = [64, 2048], strides = [1, 1]} : vector<64x4096xf32> to vector<64x2048xf32>
    %transpose3A = tpu.transpose %slice3A, [1, 0] : vector<64x2048xf32> -> vector<2048x64xf32>
    %transpose3A_7 = tpu.transpose %slice3A_6, [1, 0] : vector<64x2048xf32> -> vector<2048x64xf32>
    %concatenate3A = tpu.concatenate %transpose3A, %transpose3A_7 in 1 : vector<2048x64xf32>, vector<2048x64xf32> -> vector<2048x128xf32>
    %swap3A = arith.constant 0 : index
    %swap3A_8 = arith.constant 0 : index
    %swap3A_9 = vector.load %arg2[%swap3A, %swap3A_8] : memref<2048x128xf32, #tpu.memory_space<vmem>>, vector<2048x128xf32>
    tpu.vector_store %arg2[%swap3A, %swap3A_8], %concatenate3A {strides = array<i32>} : memref<2048x128xf32, #tpu.memory_space<vmem>>, vector<2048x128xf32>,
    return
  }
  func.func @transform_0(%arg0: i32) -> (i32, i32) {
    %c0_i32 = arith.constant 0 : i32
    %c0_i32_0 = arith.constant 0 : i32
    return %c0_i32, %arg0 : i32, i32
  }
  func.func @transform_1(%arg0: i32) -> (i32, i32) {
    %c0_i32 = arith.constant 0 : i32
    %c0_i32_0 = arith.constant 0 : i32
    return %arg0, %c0_i32 : i32, i32
  }
}

</mosaic_0001>

<sc_bundles>
// kernel: kernel.4.cloned.1.call-start
scs
__scs_entry_jumppad:
0x0: {  	(pc) =	sbr.rel $0x88, $3  }
0x1: {  	(tag) =	ssettag $0x0;
	lr =	simm.s32 $0x1  }
0x2: {  	[smem:$0x3F9F] =	sst lr;
	_ =	strace $0xD0000000  }
0x3: {  	_ = 	snop  }
0x4: {  	_ = 	snop  }
0x5: {  	_ = 	snop  }
0x6: {  	_ = 	snop  }
0x7: {  	_ = 	snop  }
__scs_overlays_trampoline_lowered:
0x8: {  	[smem:$0x3FAE] =	sst s0  }
0x9: {  	[smem:$0x3FAF] =	sst s1  }
0xa: {  	[smem:$0x3FB0] =	sst s2  }
0xb: {  	[smem:$0x3FB1] =	sst s3  }
0xc: {  	[smem:$0x3FB2] =	sst s4  }
0xd: {  	[smem:$0x3FB3] =	sst s5  }
0xe: {  	[smem:$0x3FB4] =	sst s6  }
0xf: {  	[smem:$0x3FB5] =	sst s7  }
0x10: {  	[smem:$0x3FB6] =	sst s8  }
0x11: {  	[smem:$0x3FB7] =	sst s9;
	s0 =	simm.s32 @!p0 $0x0  }
0x12: {  	s1 =	sld [smem:$0x3F9D];
	s0 =	simm.s32 @p0 $0x1  }
0x13: {  	[smem:$0x3FB8] =	sst s0;
	s0 =	simm.s32 @!p1 $0x0  }
0x14: {  	s2 =	sld [smem:$0x3F9C];
	s0 =	simm.s32 @p1 $0x1  }
0x15: {  	[smem:$0x3FB9] =	sst s0;
	s0 =	simm.s32 @!p2 $0x0  }
0x16: {  	s3 =	sld [smem:$0x3FDB];
	s0 =	simm.s32 @p2 $0x1  }
0x17: {  	s4 =	simm.s32 $0x1BF5;
	[smem:$0x3FBB] =	sst s0  }
0x18: {  	s0 =	sld [smem:$0x3F9E];
	_ =	swait.ge [sflag:s4], $0x0  }
0x19: {  	s7 =	sld [smem:$0x3F9F]  }
0x1a: {  	s8 =	sadd.s32 $0xFFFFE003, lr  }
0x1b: {  	s9 =	sadd.s32 $0xFFFFFEF7, lr;
	s5 =	simm.s32 $0xFFFFFFFF;
	p2 =	slt.u32 s8, $0xFFFFF086  }
0x1c: {  	p1 =	slt.u32 s9, $0xF7A;
	s5 =	simm.s32 @!p2 $0x0  }
0x1d: {  	s5 =	simm.s32 @p1 $0x1;
	p0 =	seq.s32 s7, s2  }
0x1e: {  	s7 =	smul.u32 @!p0 $0xF7A, s2;
	p2 =	seq.s32 @!p0 s5, $0x0  }
0x1f: {  	s9 =	smul.u32 $0xF7A, s1;
	s8 =	simm.s32 @!p0 $0x1BF5;
	p2 =	por !p2, p0  }
0x20: {  	[sflag:s8] =	ssyncset.s32 @!p0 $0xFFFFF086;
	s6 =	sadd.s32 @!p0 s3, s7;
	s7 =	simm.s32 @!p0 $0x108  }
0x21: {  	s3 =	sadd.s32 s3, s9;
	s6 =	sadd.s32 @!p0 $0x88, s6;
	s7 =	simm.s32 @p2 $0x1082  }
0x22: {  	[simem:s7], [sflag:s8] =	dma.local @!p0 [hbm:s6], $0xF7A  }
0x23: {  	s9 =	sor.u32 $0xD0000000, s2;
	s6 =	simm.s32 $0x108;
	_ =	swait.ge @!p0 [sflag:s8], $0x0  }
0x24: {  	s3 =	sadd.s32 $0x88, s3;
	s6 =	simm.s32 @!p1 $0x1082;
	[sflag:s4] =	ssyncset.s32 $0xFFFFF086  }
0x25: {  	[simem:s6], [sflag:s4] =	dma.local [hbm:s3], $0xF7A  }
0x26: {  	[smem:$0x3F9F] =	sst s1;
	(tag) =	ssettag s2;
	_ =	strace s9  }
0x27: {  	s1 =	sld [smem:$0x3FAF]  }
0x28: {  	s2 =	sld [smem:$0x3FB0]  }
0x29: {  	s4 =	sld [smem:$0x3FB2]  }
0x2a: {  	p0 =	seq.s32 s5, $0x0;
	s5 =	sld [smem:$0x3FB3]  }
0x2b: {  	s6 =	sld [smem:$0x3FB4]  }
0x2c: {  	s7 =	sld [smem:$0x3FB5]  }
0x2d: {  	s3 =	simm.s32 $0x108;
	s8 =	sld [smem:$0x3FB6]  }
0x2e: {  	s3 =	simm.s32 @!p0 $0x1082;
	s9 =	sld [smem:$0x3FB7]  }
0x2f: {  	lr =	sadd.s32 s0, s3;
	s0 =	sld [smem:$0x3FAE]  }
0x30: {  	s3 =	sld [smem:$0x3FB1]  }
0x31: {  	[smem:$0x3FBA] =	sst s10  }
0x32: {  	s10 =	sld [smem:$0x3FB8];
	_ =	sdelay $0x3  }
0x33: {  	p0 =	seq.s32 s10, $0x1;
	s10 =	sld [smem:$0x3FBA];
	_ =	sdelay $0x3  }
0x34: {  	[smem:$0x3FBA] =	sst s10  }
0x35: {  	s10 =	sld [smem:$0x3FB9];
	_ =	sdelay $0x3  }
0x36: {  	p1 =	seq.s32 s10, $0x1;
	s10 =	sld [smem:$0x3FBA];
	_ =	sdelay $0x3  }
0x37: {  	[smem:$0x3FBA] =	sst s10  }
0x38: {  	s10 =	sld [smem:$0x3FBB]  }
0x39: {  	_ = 	snop;
	(pc) =	sbr.ind lr, $3  }
0x3a: {  	_ = 	snop  }
0x3b: {  	_ = 	snop  }
0x3c: {  	p2 =	seq.s32 s10, $0x1;
	s10 =	sld [smem:$0x3FBA]  }
0x3d: {  	_ =	shalt  }
0x3e: {  	_ =	shalt  }
0x3f: {  	_ =	shalt  }
0x40: {  	_ =	shalt  }
0x41: {  	_ =	shalt  }
0x42: {  	_ =	shalt  }
0x43: {  	_ =	shalt  }
0x44: {  	_ =	shalt  }
0x45: {  	_ =	shalt  }
0x46: {  	_ =	shalt  }
0x47: {  	_ =	shalt  }
0x48: {  	_ =	shalt  }
0x49: {  	_ =	shalt  }
0x4a: {  	_ =	shalt  }
0x4b: {  	_ =	shalt  }
0x4c: {  	_ =	shalt  }
0x4d: {  	_ =	shalt  }
0x4e: {  	_ =	shalt  }
0x4f: {  	_ =	shalt  }
0x50: {  	_ =	shalt  }
0x51: {  	_ =	shalt  }
0x52: {  	_ =	shalt  }
0x53: {  	_ =	shalt  }
0x54: {  	_ =	shalt  }
0x55: {  	_ =	shalt  }
0x56: {  	_ =	shalt  }
0x57: {  	_ =	shalt  }
0x58: {  	_ =	shalt  }
0x59: {  	_ =	shalt  }
0x5a: {  	_ =	shalt  }
0x5b: {  	_ =	shalt  }
0x5c: {  	_ =	shalt  }
0x5d: {  	_ =	shalt  }
0x5e: {  	_ =	shalt  }
0x5f: {  	_ =	shalt  }
0x60: {  	_ =	shalt  }
0x61: {  	_ =	shalt  }
0x62: {  	_ =	shalt  }
0x63: {  	_ =	shalt  }
0x64: {  	_ =	shalt  }
0x65: {  	_ =	shalt  }
0x66: {  	_ =	shalt  }
0x67: {  	_ =	shalt  }
0x68: {  	_ =	shalt  }
0x69: {  	_ =	shalt  }
0x6a: {  	_ =	shalt  }
0x6b: {  	_ =	shalt  }
0x6c: {  	_ =	shalt  }
0x6d: {  	_ =	shalt  }
0x6e: {  	_ =	shalt  }
0x6f: {  	_ =	shalt  }
0x70: {  	_ =	shalt  }
0x71: {  	_ =	shalt  }
0x72: {  	_ =	shalt  }
0x73: {  	_ =	shalt  }
0x74: {  	_ =	shalt  }
0x75: {  	_ =	shalt  }
0x76: {  	_ =	shalt  }
0x77: {  	_ =	shalt  }
0x78: {  	_ =	shalt  }
0x79: {  	_ =	shalt  }
0x7a: {  	_ =	shalt  }
0x7b: {  	_ =	shalt  }
0x7c: {  	_ =	shalt  }
0x7d: {  	_ =	shalt  }
0x7e: {  	_ =	shalt  }
0x7f: {  	_ =	shalt  }
0x80: {  	_ =	shalt  }
0x81: {  	_ =	shalt  }
0x82: {  	_ =	shalt  }
0x83: {  	_ =	shalt  }
0x84: {  	_ =	shalt  }
0x85: {  	_ =	shalt  }
0x86: {  	_ =	shalt  }
0x87: {  	_ =	shalt  }
.Lfunc_end0:
.L_simem_size_0:
called_computation_lowered:
.L_overlay_start_0:
0x88: {  	s2 =	sld [smem:$0x3FD9]  }
0x89: {  	s3 =	sld [smem:$0x3FFE];
	_ =	sdelay $0x1  }
0x8a: {  	s1 =	srdreg.scid  }
0x8b: {  	s0 =	sand.u32 $0x1, s1  }
0x8c: {  	s17 =	sshll.u32 s0, $0xA;
	s2 =	sadd.s32 s3, s2  }
0x8d: {  	s2 =	sadd.s32 s2, s17  }
0x8e: {  	[smem:$0x3FC6] =	sst s2  }
0x8f: {  	_ = 	snop  }
0x90: {  	s2 =	sld [smem:$0x3FD0];
	(tm) =	ssettm $0x1  }
0x91: {  	s18 =	sld [smem:$0x3FFB];
	_ =	sdelay $0x3  }
0x92: {  	_ =	strace s18  }
0x93: {  	s3 =	sld [smem:$0x3FFC];
	_ =	sdelay $0x3  }
0x94: {  	_ =	strace s3  }
0x95: {  	s3 =	sld [smem:$0x3FFD];
	_ =	sdelay $0x3  }
0x96: {  	_ =	strace s3  }
0x97: {  	_ =	strace $0x8FFFFFFF  }
0x98: {  	s19 =	sld [smem:$0x3FDB];
	_ =	sdelay $0x1  }
0x99: {  	s4 =	simm.s32 $_scs_section_size  }
0x9a: {  	s5 =	simm.s32 $_size__tile_overlayer_lowered;
	s6 =	simm.s32 $_tile_overlayer_lowered  }
0x9b: {  	s22 =	simm.s32 $0x1BFF;
	s21 =	sshll.u32 s6, $0x1;
	s3 =	sadd.s32 s4, s19  }
0x9c: {  	s7 =	simm.s32 $0x0;
	s20 =	sshll.u32 s5, $0x1;
	s5 =	sadd.s32 s21, s3  }
0x9d: {  	[timem:s7], [sflag:s22] =	dma.local [hbm:s5], s20  }
0x9e: {  	_ =	swait.ge [sflag:s22], s20  }
0x9f: {  	s4 =	ssub.s32 $0x0, s20;
	[sflag:s22] =	ssyncset.done $0x0  }
0xa0: {  	[sflag:s22] =	ssyncadd.s32 s4;
	_ =	sdelay $0x1  }
0xa1: {  	s23 =	simm.s32 $0x1B8B  }
0xa2: {  	_ =	swait.ge [sflag:s23], $0x1  }
0xa3: {  	[sflag:s23] =	ssyncset.done $0x0  }
0xa4: {  	s25 =	simm.s32 $0x1B8E;
	s24 =	sld [smem:$0x3FFE];
	[sflag:s23] =	ssyncadd.s32 $0xFFFFFFFF  }
0xa5: {  	s26 =	simm.s32 $execute0_lowered;
	[smem:$0x3FD2] =	sst s25  }
0xa6: {  	s5 =	sshll.u32 s26, $0x1;
	_ =	strace $0x80000046;
	[dreg:$0x1] =	wrdreg $0xFFFFFFFF  }
0xa7: {  	s28 =	simm.s32 $_size_execute0_lowered;
	s3 =	sadd.s32 s3, s5;
	[dreg:$0x0] =	wrdreg $0x0  }
0xa8: {  	s5 =	sshll.u32 s28, $0x1;
	[dreg:$0x2] =	wrdreg s3  }
0xa9: {  	[dreg:$0x3] =	wrdreg s5  }
0xaa: {  	[dreg:$0x4] =	wrdreg $0xC0  }
0xab: {  	_ =	task [dreg:s7], $0x5FFFF  }
0xac: {  	[dreg:$0x1] =	wrdreg $0xFFFFFFFF  }
0xad: {  	[dreg:$0x0] =	wrdreg $0x60  }
0xae: {  	[dreg:$0x2] =	wrdreg s24  }
0xaf: {  	[dreg:$0x3] =	wrdreg s2  }
0xb0: {  	[dreg:$0x4] =	wrdreg $0x9  }
0xb1: {  	_ =	task.clear_ibuf [dreg:s7], $0x5FFFF;
	_ =	strace $0x90000046  }
0xb2: {  	s29 =	simm.s32 $0x9;
	_ =	strace $0x80000048  }
0xb3: {  	_ =	swait.ge [sflag:s29], $0x1  }
0xb4: {  	[sflag:s29] =	ssyncadd.s32 $0xFFFFFFFF  }
0xb5: {  	_ =	strace $0x90000048  }
0xb6: {  	_ =	sfence  }
0xb7: {  	s30 =	sld [smem:$0x0];
	_ =	sdelay $0x2  }
0xb8: {  	s31 =	sshll.u32 s1, $0xD;
	s1 =	sshrl.u32 s1, $0x2  }
0xb9: {  	s3 =	sand.u32 $0x4000, s31;
	s1 =	sadd.s32 s1, s30  }
0xba: {  	s0 =	sor.u32 s3, s0;
	s1 =	sshll.u32 s1, $0x11  }
0xbb: {  	s0 =	sor.u32 s1, s0  }
0xbc: {  	s0 =	sadd.s32 $0x8F2B, s0  }
0xbd: {  	[sflag:s0] =	ssyncadd.remote.s32 $0x1  }
0xbe: {  	_ =	sfence.sel $0xFFFF  }
0xbf: {  	[dreg:$0x0] =	wrdreg $0xFFFFFFFF;
	(pc) =	sbr.abs _section_cstart, $3  }
0xc0: {  	[dreg:$0x1] =	wrdreg $0xFFFFFFFF  }
0xc1: {  	_ =	task.clear_ibuf [dreg:s7], $0x2FFFF;
	_ =	strace $0x9FFFFFFF  }
0xc2: {  	(tm) =	ssettm $0x7FFFFFFF  }
0xc3: {  	_ =	shalt  }
tec
execute0_lowered:
.L_overlay_start_1:
0x0: {  	(tag) =	ssettag $0x1  }
0x1: {  	s0 =	rddreg [dreg:$0x0]  }
0x2: {  	s2 =	rddreg [dreg:$0x1]  }
0x3: {  	s1 =	srdreg.scid;
	s3 =	stileid.u32  }
0x4: {  	s4 =	simm.s32 $0x0;
	s11 =	simm.s32 $0x80;
	s14 =	simm.s32 $0x6400  }
0x5: {  	s15 =	simm.s32 $0x8400;
	s17 =	simm.s32 $0xA400;
	s19 =	simm.s32 $0xC400  }
0x6: {  	s20 =	simm.s32 $0x1;
	s21 =	simm.s32 $0xE400;
	s22 =	simm.s32 $0x400  }
0x7: {  	s23 =	simm.s32 $0x8000;
	s24 =	simm.s32 $0x2;
	s28 =	simm.s32 $0x12400  }
0x8: {  	s29 =	simm.s32 $0x4;
	s30 =	simm.s32 $0x14400;
	s12 =	simm.s32 $0x8  }
0x9: {  	s16 =	simm.s32 $0x0;
	s18 =	simm.s32 $0x0;
	s1 =	sand.u32 $0x1, s1  }
0xa: {  	s3 =	sshll.u32 s3, $0x1;
	[smem:$0x7FF] =	sst s4;
	s4 =	sadd.s32 $0x19400, s0  }
0xb: {  	v0 =	vlaneseq.u32;
	s7 =	sadd.s32 $0x8000, s2;
	s8 =	sadd.s32 $0x10000, s2;
	s3 =	sor.u32 s1, s3  }
.Ltmp0:
0xc: {  	v1 =	vmul.u32 $0x40, v0;
	v3 =	vor.u32 $0x10, v0;
	v5 =	vor.u32 $0x20, v0;
	s1 =	ssub.s32 $0x2, s1;
	s25 =	sshll.u32 s3, $0x4;
	(pc) =	sbr.rel .LBB2_1-.Ltmp0, $4  }
0xd: {  	s9 =	sadd.s32 $0x18000, s2;
	v7 =	vor.u32 $0x30, v0;
	v9 =	vor.u32 $0x40, v0;
	v11 =	vor.u32 $0x50, v0;
	s5 =	sshrl.u32 s1, $0x1;
	s6 =	sadd.s32 s25, s0  }
0xe: {  	v13 =	vor.u32 $0x60, v0;
	v15 =	vor.u32 $0x70, v0;
	_ =	strace $0x80000047;
	v2 =	vor.u32 $0x400, v1;
	s26 =	ssub.s32 s1, s5;
	s31 =	sadd.s32 $0x400, s6  }
0xf: {  	v4 =	vor.u32 $0x800, v1;
	v6 =	vor.u32 $0xC00, v1;
	v8 =	vor.u32 $0x1000, v1;
	s25 =	simm.s32 $0x10400;
	s0 =	smax.u32 s26, $0x1;
	[dreg:$0x3] =	wrdreg s31  }
0x10: {  	v10 =	vor.u32 $0x1400, v1;
	v12 =	vor.u32 $0x1800, v1;
	v14 =	vor.u32 $0x1C00, v1;
	s6 =	sshll.u32 s3, $0x7;
	s26 =	simm.s32 $0x3;
	[dreg:$0x4] =	wrdreg s0  }
.LBB2_14:
0x11: {  	s0 =	simm.s32 $0x5  }
0x12: {  	_ =	swait.ge [sflag:s0], $0x2000  }
0x13: {  	[sflag:s0] =	ssyncset.done $0x0  }
0x14: {  	s10 =	simm.s32 $0x6;
	[sflag:s0] =	ssyncadd.s32 $0xFFFFE000  }
0x15: {  	_ =	swait.ge [sflag:s10], $0x2000  }
0x16: {  	[sflag:s10] =	ssyncset.done $0x0  }
0x17: {  	s13 =	simm.s32 $0x7;
	[sflag:s10] =	ssyncadd.s32 $0xFFFFE000  }
0x18: {  	_ =	swait.ge [sflag:s13], $0x2000  }
0x19: {  	[sflag:s13] =	ssyncset.done $0x0  }
0x1a: {  	[sflag:s13] =	ssyncadd.s32 $0xFFFFE000  }
0x1b: {  	_ =	swait.ge [sflag:s12], $0x2000  }
0x1c: {  	s16 =	sadd.s32 $0x1, s16;
	s31 =	rddreg [dreg:$0x4]  }
0x1d: {  	p0 =	sne.s32 s16, s31  }
.Ltmp1:
0x1e: {  	_ = 	snop;
	(pc) =	sbr.rel @!p0 .LBB2_15-.Ltmp1, $3  }
0x1f: {  	_ =	sdelay $0x1  }
0x20: {  	[sflag:s12] =	ssyncset.done $0x0  }
0x21: {  	[sflag:s12] =	ssyncadd.s32 $0xFFFFE000  }
.LBB2_1:
0x22: {  	s0 =	simm.s32 $0x0  }
0x23: {  	s1 =	rddreg [dreg:$0x3];
	s3 =	simm.s32 $0x1000;
	s31 =	simm.s32 $0x9  }
0x24: {  	[tilespmem:s0], [sflag:$0x9] =	stream.strided.gather [hbm4b:s1+s11], $0x6400, s3, s11, $0x38;
	[tilespmem:$0x16400] =	vst v63  }
0x25: {  	_ =	swait.ge [sflag:s31], $0x6400  }
0x26: {  	[sflag:s31] =	ssyncset.done $0x0  }
0x27: {  	s3 =	simm.s32 $0x0;
	[sflag:s31] =	ssyncadd.s32 $0xFFFF9C00  }
0x28: {  	v16 =	vld [tilespmem:s3+$0x60]  }
0x29: {  	v20 =	vld [tilespmem:s3+$0x20]  }
0x2a: {  	v17 =	vld [tilespmem:s3+$0x10]  }
0x2b: {  	v21 =	vld [tilespmem:s3+$0x40]  }
0x2c: {  	v25 =	vld [tilespmem:s3+$0x50]  }
0x2d: {  	v19 =	vld [tilespmem:s3+$0x70];
	_ =	sdelay $0x2  }
0x2e: {  	v22 =	vld [tilespmem:s3+$0x30];
	vm0 =	veq.s32 v16, $0x0;
	vm1 =	veq.s32 v17, $0x0  }
0x2f: {  	vm2 =	veq.s32 v21, $0x0;
	vm4 =	veq.s32 v25, $0x0;
	v16 =	vsel vm0, $0xF4240, v16  }
0x30: {  	vm0 =	veq.s32 v20, $0x0;
	v24 =	vsel vm1, $0xF4240, v17;
	vm1 =	veq.s32 v19, $0x0  }
0x31: {  	v25 =	vsel vm4, $0xF4240, v25;
	v23 =	vand.u32 $0xFFF, v16;
	v26 =	vand.u32 $0xFFFFF000, v16  }
0x32: {  	v18 =	vand.u32 $0xFFFFF000, v24;
	v27 =	vand.u32 $0xFFF, v24;
	v24 =	vsel vm2, $0xF4240, v21  }
0x33: {  	v19 =	vsel vm1, $0xF4240, v19;
	v28 =	vsel vm0, $0xF4240, v20;
	vm2 =	veq.s32 v22, $0x0  }
0x34: {  	vm3 =	vlt.u32 v23, $0x800;
	v16 =	vand.u32 $0xFFFFF000, v24;
	v21 =	vand.u32 $0xFFF, v19  }
0x35: {  	v17 =	vld [tilespmem:s3+$0x0];
	v19 =	vand.u32 $0xFFFFF000, v19;
	v20 =	vand.u32 $0xFFF, v28;
	v23 =	vshll.u32 v23, $0x1  }
0x36: {  	v22 =	vsel vm2, $0xF4240, v22;
	v24 =	vand.u32 $0xFFF, v24;
	v28 =	vand.u32 $0xFFFFF000, v28  }
0x37: {  	vm0 =	vlt.u32 v21, $0x800;
	v21 =	vshll.u32 v21, $0x1;
	vm5 =	vlt.u32 v20, $0x800  }
0x38: {  	v20 =	vshll.u32 v20, $0x1;
	v29 =	vadd.s32 $0xFFFFF001, v23;
	vm2 =	vlt.u32 v24, $0x800  }
0x39: {  	v30 =	vadd.s32 $0xFFFFF001, v20;
	v23 =	vsel vm3, v23, v29;
	vm3 =	vlt.u32 v27, $0x800  }
0x3a: {  	vm1 =	veq.s32 v17, $0x0;
	v29 =	vsel vm5, v20, v30;
	v23 =	vadd.s32 v26, v23  }
0x3b: {  	v20 =	vand.u32 $0xFFFFF000, v22;
	v26 =	vshll.u32 v27, $0x1;
	[tilespmem:s3+$0x60] =	vst v23;
	v23 =	vadd.s32 v28, v29  }
0x3c: {  	s5 =	simm.s32 $0x200;
	v22 =	vand.u32 $0xFFF, v22;
	v27 =	vadd.s32 $0xFFFFF001, v26;
	[tilespmem:s3+$0x20] =	vst v23;
	v23 =	vand.u32 $0xFFF, v25  }
.LBB2_2:
0x3d: {  	s10 =	sshra.s32 s5, $0x2;
	p0 =	sne.s32 s5, $0x18E00;
	s5 =	sadd.s32 $0x200, s5;
	v26 =	vsel vm3, v26, v27;
	v24 =	vshll.u32 v24, $0x1;
	v27 =	vadd.s32 $0xFFFFF001, v21  }
0x3e: {  	v17 =	vsel vm1, $0xF4240, v17;
	v25 =	vand.u32 $0xFFFFF000, v25;
	v28 =	vld [tilespmem:s10+$0x60];
	v18 =	vadd.s32 v18, v26  }
0x3f: {  	vm1 =	vlt.u32 v23, $0x800;
	v29 =	vand.u32 $0xFFF, v17;
	v26 =	vld [tilespmem:s10+$0x20];
	[tilespmem:s3+$0x10] =	vst v18;
	v18 =	vsel vm0, v21, v27  }
0x40: {  	v30 =	vadd.s32 $0xFFFFF001, v24;
	v27 =	vshll.u32 v22, $0x1;
	v21 =	vld [tilespmem:s10+$0x10];
	v18 =	vadd.s32 v19, v18  }
0x41: {  	vm3 =	vlt.u32 v29, $0x800;
	vm0 =	vlt.u32 v22, $0x800;
	v19 =	vsel vm2, v24, v30;
	[tilespmem:s3+$0x70] =	vst v18  }
0x42: {  	v17 =	vand.u32 $0xFFFFF000, v17;
	v18 =	vadd.s32 $0xFFFFF001, v27;
	v16 =	vadd.s32 v16, v19;
	v22 =	vld [tilespmem:s10+$0x70]  }
0x43: {  	v19 =	vshll.u32 v29, $0x1;
	v18 =	vsel vm0, v27, v18;
	[tilespmem:s3+$0x40] =	vst v16;
	v16 =	vshll.u32 v23, $0x1  }
0x44: {  	v24 =	vadd.s32 $0xFFFFF001, v19;
	v18 =	vadd.s32 v20, v18;
	v23 =	vld [tilespmem:s10+$0x40];
	v20 =	vadd.s32 $0xFFFFF001, v16  }
0x45: {  	vm2 =	veq.s32 v28, $0x0;
	vm0 =	veq.s32 v26, $0x0;
	v16 =	vsel vm1, v16, v20  }
0x46: {  	v19 =	vsel vm3, v19, v24;
	v20 =	vsel vm2, $0xF4240, v28;
	[tilespmem:s3+$0x30] =	vst v18;
	v16 =	vadd.s32 v25, v16  }
0x47: {  	v17 =	vadd.s32 v17, v19;
	vm1 =	veq.s32 v21, $0x0;
	v25 =	vand.u32 $0xFFF, v20;
	v24 =	vld [tilespmem:s10+$0x30];
	[tilespmem:s3+$0x50] =	vst v16  }
0x48: {  	v28 =	vand.u32 $0xFFFFF000, v20;
	v16 =	vsel vm1, $0xF4240, v21;
	vm1 =	veq.s32 v22, $0x0;
	v27 =	vld [tilespmem:s10+$0x50];
	[tilespmem:s3+$0x0] =	vst v17;
	s3 =	smov.u32 s10  }
0x49: {  	vm3 =	vlt.u32 v25, $0x800;
	v18 =	vand.u32 $0xFFFFF000, v16;
	v17 =	vld [tilespmem:s3+$0x0];
	vm2 =	veq.s32 v23, $0x0  }
0x4a: {  	v29 =	vand.u32 $0xFFF, v16;
	v19 =	vsel vm1, $0xF4240, v22;
	v20 =	vsel vm2, $0xF4240, v23  }
0x4b: {  	v21 =	vand.u32 $0xFFF, v19;
	v19 =	vand.u32 $0xFFFFF000, v19;
	v16 =	vand.u32 $0xFFFFF000, v20  }
0x4c: {  	v22 =	vsel vm0, $0xF4240, v26;
	vm0 =	vlt.u32 v21, $0x800;
	vm2 =	veq.s32 v24, $0x0  }
0x4d: {  	v23 =	vand.u32 $0xFFF, v22;
	v21 =	vshll.u32 v21, $0x1;
	vm4 =	veq.s32 v27, $0x0  }
0x4e: {  	v25 =	vshll.u32 v25, $0x1;
	vm5 =	vlt.u32 v23, $0x800;
	vm1 =	veq.s32 v17, $0x0  }
0x4f: {  	v30 =	vadd.s32 $0xFFFFF001, v25;
	v23 =	vshll.u32 v23, $0x1;
	v26 =	vsel vm2, $0xF4240, v24  }
.Ltmp2:
0x50: {  	v25 =	vsel vm3, v25, v30;
	v31 =	vadd.s32 $0xFFFFF001, v23;
	v24 =	vand.u32 $0xFFF, v20;
	(pc) =	sbr.rel @p0 .LBB2_2-.Ltmp2, $4  }
0x51: {  	v28 =	vadd.s32 v28, v25;
	v23 =	vsel vm5, v23, v31;
	v20 =	vand.u32 $0xFFFFF000, v26  }
0x52: {  	v30 =	vand.u32 $0xFFFFF000, v22;
	v22 =	vand.u32 $0xFFF, v26;
	v25 =	vsel vm4, $0xF4240, v27;
	[tilespmem:s3+$0x60] =	vst v28  }
0x53: {  	v26 =	vshll.u32 v29, $0x1;
	v23 =	vadd.s32 v30, v23;
	vm2 =	vlt.u32 v24, $0x800  }
0x54: {  	vm3 =	vlt.u32 v29, $0x800;
	v27 =	vadd.s32 $0xFFFFF001, v26;
	[tilespmem:s3+$0x20] =	vst v23;
	v23 =	vand.u32 $0xFFF, v25  }
0x55: {  	v26 =	vsel vm3, v26, v27;
	v24 =	vshll.u32 v24, $0x1;
	v54 =	vadd.s32 $0xFFFFF001, v21  }
0x56: {  	v17 =	vsel vm1, $0xF4240, v17;
	v25 =	vand.u32 $0xFFFFF000, v25;
	vm13 =	vlt.u32 v23, $0x800  }
0x57: {  	v56 =	vshll.u32 v22, $0x1;
	vm15 =	vlt.u32 v22, $0x800;
	v59 =	vshll.u32 v23, $0x1  }
0x58: {  	v18 =	vadd.s32 v18, v26;
	v55 =	vand.u32 $0xFFF, v17;
	v21 =	vsel vm0, v21, v54  }
0x59: {  	v57 =	vadd.s32 $0xFFFFF001, v24;
	v58 =	vadd.s32 $0xFFFFF001, v56;
	v61 =	vadd.s32 $0xFFFFF001, v59  }
0x5a: {  	v19 =	vadd.s32 v19, v21;
	vm14 =	vlt.u32 v55, $0x800;
	v21 =	vsel vm2, v24, v57;
	[tilespmem:s3+$0x10] =	vst v18  }
0x5b: {  	v60 =	vshll.u32 v55, $0x1;
	v18 =	vsel vm15, v56, v58;
	v16 =	vadd.s32 v16, v21;
	[tilespmem:s3+$0x70] =	vst v19  }
0x5c: {  	v62 =	vsel vm13, v59, v61;
	v18 =	vadd.s32 v20, v18;
	[tilespmem:s3+$0x40] =	vst v16;
	v16 =	vadd.s32 $0xFFFFF001, v60  }
0x5d: {  	v17 =	vand.u32 $0xFFFFF000, v17;
	v63 =	vadd.s32 v25, v62;
	[tilespmem:s3+$0x30] =	vst v18;
	v16 =	vsel vm14, v60, v16  }
0x5e: {  	[tilespmem:s3+$0x50] =	vst v63;
	v16 =	vadd.s32 v17, v16  }
0x5f: {  	[tilespmem:s3+$0x0] =	vst v16  }
0x60: {  	[tilespmem:s14], [sflag:$0x1] =	stream.indirect.gather [hbm4b:s4+s11], $0x40, s18, s11, $0xb8;
	[tilespmem:$0x16400] =	vst v63  }
0x61: {  	_ = 	snop  }
0x62: {  	[tilespmem:s15], [sflag:$0x2] =	stream.indirect.gather [hbm4b:s4+s11], $0x40, s11, s11, $0xb8;
	[tilespmem:$0x16400] =	vst v63  }
0x63: {  	s0 =	simm.s32 $0x100  }
0x64: {  	[tilespmem:s17], [sflag:$0x3] =	stream.indirect.gather [hbm4b:s4+s11], $0x40, s0, s11, $0xb8;
	[tilespmem:$0x16400] =	vst v63  }
0x65: {  	s31 =	simm.s32 $0x180;
	s3 =	simm.s32 $0x0  }
0x66: {  	[tilespmem:s19], [sflag:$0x4] =	stream.indirect.gather [hbm4b:s4+s11], $0x40, s31, s11, $0xb8;
	[tilespmem:$0x16400] =	vst v63  }
.LBB2_4:
0x67: {  	v16 =	vadd.s32 s18, v0  }
0x68: {  	v17 =	vand.u32 $0x3F, v16  }
0x69: {  	v18 =	vor.u32 v1, v17;
	_ =	sdelay $0x1  }
0x6a: {  	_ =	swait.ge [sflag:s20], $0x2000  }
0x6b: {  	[sflag:s20] =	ssyncset.done $0x0;
	v16 =	vshll.u32 v16, $0x7  }
0x6c: {  	[sflag:s20] =	ssyncadd.s32 $0xFFFFE000;
	v16 =	vand.u32 $0x1F80, v16  }
0x6d: {  	v19 =	vor.u32 v0, v16;
	v18 =	vld.idx.msk [tilespmem:v18+s14+$0x0], $0xffff  }
0x6e: {  	v20 =	vor.u32 v2, v17;
	_ =	sdelay $0x3  }
0x6f: {  	[tilespmem:v19+s21+$0x0] =	vst.idx.msk $0xffff, v18  }
0x70: {  	v19 =	vor.u32 v3, v16;
	v18 =	vld.idx.msk [tilespmem:v20+s14+$0x0], $0xffff  }
0x71: {  	v20 =	vor.u32 v4, v17;
	_ =	sdelay $0x3  }
0x72: {  	[tilespmem:v19+s21+$0x0] =	vst.idx.msk $0xffff, v18  }
0x73: {  	v19 =	vor.u32 v5, v16;
	v18 =	vld.idx.msk [tilespmem:v20+s14+$0x0], $0xffff  }
0x74: {  	v20 =	vor.u32 v6, v17;
	_ =	sdelay $0x3  }
0x75: {  	[tilespmem:v19+s21+$0x0] =	vst.idx.msk $0xffff, v18  }
0x76: {  	v19 =	vor.u32 v7, v16;
	v18 =	vld.idx.msk [tilespmem:v20+s14+$0x0], $0xffff  }
0x77: {  	v20 =	vor.u32 v8, v17;
	_ =	sdelay $0x3  }
0x78: {  	[tilespmem:v19+s21+$0x0] =	vst.idx.msk $0xffff, v18  }
0x79: {  	v19 =	vor.u32 v9, v16;
	v18 =	vld.idx.msk [tilespmem:v20+s14+$0x0], $0xffff  }
0x7a: {  	v20 =	vor.u32 v10, v17;
	_ =	sdelay $0x3  }
0x7b: {  	[tilespmem:v19+s21+$0x0] =	vst.idx.msk $0xffff, v18  }
0x7c: {  	v19 =	vor.u32 v11, v16;
	v18 =	vld.idx.msk [tilespmem:v20+s14+$0x0], $0xffff  }
0x7d: {  	v20 =	vor.u32 v12, v17;
	_ =	sdelay $0x3  }
0x7e: {  	[tilespmem:v19+s21+$0x0] =	vst.idx.msk $0xffff, v18  }
0x7f: {  	v19 =	vor.u32 v13, v16;
	v18 =	vld.idx.msk [tilespmem:v20+s14+$0x0], $0xffff  }
0x80: {  	v20 =	vor.u32 v14, v17;
	_ =	sdelay $0x3  }
0x81: {  	s5 =	simm.s32 $0x1;
	[tilespmem:v19+s21+$0x0] =	vst.idx.msk $0xffff, v18  }
0x82: {  	v17 =	vadd.s32 s5, v0;
	s5 =	simm.s32 $0x2;
	v18 =	vld.idx.msk [tilespmem:v20+s14+$0x0], $0xffff  }
.LBB2_5:
0x83: {  	p0 =	sne.s32 s5, $0x3F;
	v19 =	vand.u32 $0x3F, v17;
	v16 =	vor.u32 v15, v16  }
0x84: {  	v20 =	vor.u32 v1, v19;
	_ =	sdelay $0x3  }
0x85: {  	v17 =	vshll.u32 v17, $0x7;
	[tilespmem:v16+s21+$0x0] =	vst.idx.msk $0xffff, v18  }
0x86: {  	v16 =	vand.u32 $0x1F80, v17;
	v18 =	vld.idx.msk [tilespmem:v20+s14+$0x0], $0xffff  }
0x87: {  	v17 =	vor.u32 v0, v16  }
0x88: {  	v20 =	vor.u32 v2, v19;
	_ =	sdelay $0x3  }
0x89: {  	[tilespmem:v17+s21+$0x0] =	vst.idx.msk $0xffff, v18  }
0x8a: {  	v17 =	vld.idx.msk [tilespmem:v20+s14+$0x0], $0xffff  }
0x8b: {  	v18 =	vor.u32 v3, v16  }
0x8c: {  	v20 =	vor.u32 v4, v19;
	_ =	sdelay $0x3  }
0x8d: {  	[tilespmem:v18+s21+$0x0] =	vst.idx.msk $0xffff, v17  }
0x8e: {  	v17 =	vld.idx.msk [tilespmem:v20+s14+$0x0], $0xffff  }
0x8f: {  	v18 =	vor.u32 v5, v16  }
0x90: {  	v20 =	vor.u32 v6, v19;
	_ =	sdelay $0x3  }
0x91: {  	[tilespmem:v18+s21+$0x0] =	vst.idx.msk $0xffff, v17  }
0x92: {  	v17 =	vld.idx.msk [tilespmem:v20+s14+$0x0], $0xffff  }
0x93: {  	v18 =	vor.u32 v7, v16  }
0x94: {  	v20 =	vor.u32 v8, v19;
	_ =	sdelay $0x3  }
0x95: {  	[tilespmem:v18+s21+$0x0] =	vst.idx.msk $0xffff, v17  }
0x96: {  	v17 =	vld.idx.msk [tilespmem:v20+s14+$0x0], $0xffff  }
0x97: {  	v18 =	vor.u32 v9, v16  }
0x98: {  	v20 =	vor.u32 v10, v19;
	_ =	sdelay $0x3  }
0x99: {  	[tilespmem:v18+s21+$0x0] =	vst.idx.msk $0xffff, v17  }
0x9a: {  	v17 =	vld.idx.msk [tilespmem:v20+s14+$0x0], $0xffff  }
0x9b: {  	v18 =	vor.u32 v11, v16  }
0x9c: {  	v20 =	vor.u32 v12, v19;
	_ =	sdelay $0x3  }
0x9d: {  	[tilespmem:v18+s21+$0x0] =	vst.idx.msk $0xffff, v17  }
0x9e: {  	v17 =	vld.idx.msk [tilespmem:v20+s14+$0x0], $0xffff  }
0x9f: {  	v18 =	vor.u32 v13, v16  }
0xa0: {  	v19 =	vor.u32 v14, v19  }
.Ltmp3:
0xa1: {  	(pc) =	sbr.rel @p0 .LBB2_5-.Ltmp3, $3  }
0xa2: {  	_ =	sdelay $0x1  }
0xa3: {  	[tilespmem:v18+s21+$0x0] =	vst.idx.msk $0xffff, v17  }
0xa4: {  	v17 =	vadd.s32 s5, v0;
	s5 =	sadd.s32 $0x1, s5;
	v18 =	vld.idx.msk [tilespmem:v19+s14+$0x0], $0xffff  }
0xa5: {  	v19 =	vand.u32 $0x3F, v17;
	v16 =	vor.u32 v15, v16  }
0xa6: {  	v20 =	vor.u32 v1, v19;
	_ =	sdelay $0x2  }
0xa7: {  	v17 =	vshll.u32 v17, $0x7  }
0xa8: {  	[tilespmem:v16+s21+$0x0] =	vst.idx.msk $0xffff, v18;
	v16 =	vand.u32 $0x1F80, v17  }
0xa9: {  	v17 =	vld.idx.msk [tilespmem:v20+s14+$0x0], $0xffff;
	v18 =	vor.u32 v0, v16  }
0xaa: {  	v20 =	vor.u32 v2, v19;
	_ =	sdelay $0x3  }
0xab: {  	[tilespmem:v18+s21+$0x0] =	vst.idx.msk $0xffff, v17  }
0xac: {  	v18 =	vor.u32 v3, v16;
	v17 =	vld.idx.msk [tilespmem:v20+s14+$0x0], $0xffff  }
0xad: {  	v20 =	vor.u32 v4, v19;
	_ =	sdelay $0x3  }
0xae: {  	[tilespmem:v18+s21+$0x0] =	vst.idx.msk $0xffff, v17  }
0xaf: {  	v18 =	vor.u32 v5, v16;
	v17 =	vld.idx.msk [tilespmem:v20+s14+$0x0], $0xffff  }
0xb0: {  	v20 =	vor.u32 v6, v19;
	_ =	sdelay $0x3  }
0xb1: {  	[tilespmem:v18+s21+$0x0] =	vst.idx.msk $0xffff, v17  }
0xb2: {  	v18 =	vor.u32 v7, v16;
	v17 =	vld.idx.msk [tilespmem:v20+s14+$0x0], $0xffff  }
0xb3: {  	v20 =	vor.u32 v8, v19;
	_ =	sdelay $0x3  }
0xb4: {  	[tilespmem:v18+s21+$0x0] =	vst.idx.msk $0xffff, v17  }
0xb5: {  	v18 =	vor.u32 v9, v16;
	v17 =	vld.idx.msk [tilespmem:v20+s14+$0x0], $0xffff  }
0xb6: {  	v20 =	vor.u32 v10, v19;
	_ =	sdelay $0x3  }
0xb7: {  	[tilespmem:v18+s21+$0x0] =	vst.idx.msk $0xffff, v17  }
0xb8: {  	v18 =	vor.u32 v11, v16;
	v17 =	vld.idx.msk [tilespmem:v20+s14+$0x0], $0xffff  }
0xb9: {  	v20 =	vor.u32 v12, v19;
	_ =	sdelay $0x3  }
0xba: {  	[tilespmem:v18+s21+$0x0] =	vst.idx.msk $0xffff, v17  }
0xbb: {  	v18 =	vor.u32 v13, v16;
	v17 =	vld.idx.msk [tilespmem:v20+s14+$0x0], $0xffff  }
0xbc: {  	v19 =	vor.u32 v14, v19;
	_ =	sdelay $0x3  }
0xbd: {  	[tilespmem:v18+s21+$0x0] =	vst.idx.msk $0xffff, v17  }
0xbe: {  	v16 =	vor.u32 v15, v16;
	v17 =	vld.idx.msk [tilespmem:v19+s14+$0x0], $0xffff;
	_ =	sdelay $0x2  }
0xbf: {  	s5 =	sshll.u32 s3, $0x11  }
0xc0: {  	p0 =	seq.s32 s3, $0x31;
	s5 =	sor.u32 s6, s5  }
0xc1: {  	s13 =	simm.s32 @!p0 $0x5;
	s10 =	sadd.s32 s2, s5;
	[tilespmem:v16+s21+$0x0] =	vst.idx.msk $0xffff, v17  }
0xc2: {  	[hbm4b:s10+s22] =	stream.strided.scatter [tilespmem:s21], [sflag:$0x5], $0x2000, s23, s22, $0x38;
	[tilespmem:$0x16400] =	vst v63  }
0xc3: {  	s31 =	simm.s32 $0x0;
	_ =	swait.ge @!p0 [sflag:s13], $0x2000  }
0xc4: {  	v16 =	vadd.s32 s31, v0;
	s10 =	sshll.u32 s3, $0xB;
	[sflag:s13] =	ssyncset.done @!p0 $0x0  }
0xc5: {  	v17 =	vand.u32 $0x3F, v16;
	[sflag:s13] =	ssyncadd.s32 @!p0 $0xFFFFE000;
	s13 =	sshrl.u32 @!p0 s10, $0x2  }
0xc6: {  	s0 =	simm.s32 @!p0 $0x80;
	s1 =	simm.s32 @!p0 $0x6400;
	v18 =	vor.u32 v1, v17;
	s31 =	sadd.s32 @!p0 $0x200, s13  }
0xc7: {  	[tilespmem:s1], [sflag:$0x1] =	stream.indirect.gather @!p0 [hbm4b:s4+s0], $0x40, s31, s0, $0xb8;
	[tilespmem:$0x16400] =	vst v63  }
0xc8: {  	_ =	swait.ge [sflag:s24], $0x2000  }
0xc9: {  	v16 =	vshll.u32 v16, $0x7;
	[sflag:s24] =	ssyncset.done $0x0  }
0xca: {  	v16 =	vand.u32 $0x1F80, v16;
	[sflag:s24] =	ssyncadd.s32 $0xFFFFE000  }
0xcb: {  	v19 =	vor.u32 v0, v16;
	v18 =	vld.idx.msk [tilespmem:v18+s15+$0x0], $0xffff  }
0xcc: {  	v20 =	vor.u32 v2, v17;
	_ =	sdelay $0x3  }
0xcd: {  	[tilespmem:v19+s25+$0x0] =	vst.idx.msk $0xffff, v18  }
0xce: {  	v19 =	vor.u32 v3, v16;
	v18 =	vld.idx.msk [tilespmem:v20+s15+$0x0], $0xffff  }
0xcf: {  	v20 =	vor.u32 v4, v17;
	_ =	sdelay $0x3  }
0xd0: {  	[tilespmem:v19+s25+$0x0] =	vst.idx.msk $0xffff, v18  }
0xd1: {  	v19 =	vor.u32 v5, v16;
	v18 =	vld.idx.msk [tilespmem:v20+s15+$0x0], $0xffff  }
0xd2: {  	v20 =	vor.u32 v6, v17;
	_ =	sdelay $0x3  }
0xd3: {  	[tilespmem:v19+s25+$0x0] =	vst.idx.msk $0xffff, v18  }
0xd4: {  	v19 =	vor.u32 v7, v16;
	v18 =	vld.idx.msk [tilespmem:v20+s15+$0x0], $0xffff  }
0xd5: {  	v20 =	vor.u32 v8, v17;
	_ =	sdelay $0x3  }
0xd6: {  	[tilespmem:v19+s25+$0x0] =	vst.idx.msk $0xffff, v18  }
0xd7: {  	v19 =	vor.u32 v9, v16;
	v18 =	vld.idx.msk [tilespmem:v20+s15+$0x0], $0xffff  }
0xd8: {  	v20 =	vor.u32 v10, v17;
	_ =	sdelay $0x3  }
0xd9: {  	[tilespmem:v19+s25+$0x0] =	vst.idx.msk $0xffff, v18  }
0xda: {  	v19 =	vor.u32 v11, v16;
	v18 =	vld.idx.msk [tilespmem:v20+s15+$0x0], $0xffff  }
0xdb: {  	v20 =	vor.u32 v12, v17;
	_ =	sdelay $0x3  }
0xdc: {  	[tilespmem:v19+s25+$0x0] =	vst.idx.msk $0xffff, v18  }
0xdd: {  	v19 =	vor.u32 v13, v16;
	v18 =	vld.idx.msk [tilespmem:v20+s15+$0x0], $0xffff  }
0xde: {  	v20 =	vor.u32 v14, v17;
	_ =	sdelay $0x3  }
0xdf: {  	s1 =	simm.s32 $0x1;
	[tilespmem:v19+s25+$0x0] =	vst.idx.msk $0xffff, v18  }
0xe0: {  	s31 =	simm.s32 $0x2;
	v17 =	vadd.s32 s1, v0;
	v18 =	vld.idx.msk [tilespmem:v20+s15+$0x0], $0xffff  }
.LBB2_7:
0xe1: {  	p1 =	sne.s32 s31, $0x3F;
	v19 =	vand.u32 $0x3F, v17;
	v16 =	vor.u32 v15, v16  }
0xe2: {  	v20 =	vor.u32 v1, v19;
	_ =	sdelay $0x3  }
0xe3: {  	v17 =	vshll.u32 v17, $0x7;
	[tilespmem:v16+s25+$0x0] =	vst.idx.msk $0xffff, v18  }
0xe4: {  	v16 =	vand.u32 $0x1F80, v17;
	v18 =	vld.idx.msk [tilespmem:v20+s15+$0x0], $0xffff  }
0xe5: {  	v17 =	vor.u32 v0, v16  }
0xe6: {  	v20 =	vor.u32 v2, v19;
	_ =	sdelay $0x3  }
0xe7: {  	[tilespmem:v17+s25+$0x0] =	vst.idx.msk $0xffff, v18  }
0xe8: {  	v17 =	vld.idx.msk [tilespmem:v20+s15+$0x0], $0xffff  }
0xe9: {  	v18 =	vor.u32 v3, v16  }
0xea: {  	v20 =	vor.u32 v4, v19;
	_ =	sdelay $0x3  }
0xeb: {  	[tilespmem:v18+s25+$0x0] =	vst.idx.msk $0xffff, v17  }
0xec: {  	v17 =	vld.idx.msk [tilespmem:v20+s15+$0x0], $0xffff  }
0xed: {  	v18 =	vor.u32 v5, v16  }
0xee: {  	v20 =	vor.u32 v6, v19;
	_ =	sdelay $0x3  }
0xef: {  	[tilespmem:v18+s25+$0x0] =	vst.idx.msk $0xffff, v17  }
0xf0: {  	v17 =	vld.idx.msk [tilespmem:v20+s15+$0x0], $0xffff  }
0xf1: {  	v18 =	vor.u32 v7, v16  }
0xf2: {  	v20 =	vor.u32 v8, v19;
	_ =	sdelay $0x3  }
0xf3: {  	[tilespmem:v18+s25+$0x0] =	vst.idx.msk $0xffff, v17  }
0xf4: {  	v17 =	vld.idx.msk [tilespmem:v20+s15+$0x0], $0xffff  }
0xf5: {  	v18 =	vor.u32 v9, v16  }
0xf6: {  	v20 =	vor.u32 v10, v19;
	_ =	sdelay $0x3  }
0xf7: {  	[tilespmem:v18+s25+$0x0] =	vst.idx.msk $0xffff, v17  }
0xf8: {  	v17 =	vld.idx.msk [tilespmem:v20+s15+$0x0], $0xffff  }
0xf9: {  	v18 =	vor.u32 v11, v16  }
0xfa: {  	v20 =	vor.u32 v12, v19;
	_ =	sdelay $0x3  }
0xfb: {  	[tilespmem:v18+s25+$0x0] =	vst.idx.msk $0xffff, v17  }
0xfc: {  	v17 =	vld.idx.msk [tilespmem:v20+s15+$0x0], $0xffff  }
0xfd: {  	v18 =	vor.u32 v13, v16  }
0xfe: {  	v19 =	vor.u32 v14, v19  }
.Ltmp4:
0xff: {  	(pc) =	sbr.rel @p1 .LBB2_7-.Ltmp4, $3  }
0x100: {  	_ =	sdelay $0x1  }
0x101: {  	[tilespmem:v18+s25+$0x0] =	vst.idx.msk $0xffff, v17  }
0x102: {  	v17 =	vadd.s32 s31, v0;
	s31 =	sadd.s32 $0x1, s31;
	v18 =	vld.idx.msk [tilespmem:v19+s15+$0x0], $0xffff  }
0x103: {  	v19 =	vand.u32 $0x3F, v17;
	v16 =	vor.u32 v15, v16  }
0x104: {  	v20 =	vor.u32 v1, v19;
	_ =	sdelay $0x2  }
0x105: {  	v17 =	vshll.u32 v17, $0x7  }
0x106: {  	[tilespmem:v16+s25+$0x0] =	vst.idx.msk $0xffff, v18;
	v16 =	vand.u32 $0x1F80, v17  }
0x107: {  	v17 =	vld.idx.msk [tilespmem:v20+s15+$0x0], $0xffff;
	v18 =	vor.u32 v0, v16  }
0x108: {  	v20 =	vor.u32 v2, v19;
	_ =	sdelay $0x3  }
0x109: {  	[tilespmem:v18+s25+$0x0] =	vst.idx.msk $0xffff, v17  }
0x10a: {  	v18 =	vor.u32 v3, v16;
	v17 =	vld.idx.msk [tilespmem:v20+s15+$0x0], $0xffff  }
0x10b: {  	v20 =	vor.u32 v4, v19;
	_ =	sdelay $0x3  }
0x10c: {  	[tilespmem:v18+s25+$0x0] =	vst.idx.msk $0xffff, v17  }
0x10d: {  	v18 =	vor.u32 v5, v16;
	v17 =	vld.idx.msk [tilespmem:v20+s15+$0x0], $0xffff  }
0x10e: {  	v20 =	vor.u32 v6, v19;
	_ =	sdelay $0x3  }
0x10f: {  	[tilespmem:v18+s25+$0x0] =	vst.idx.msk $0xffff, v17  }
0x110: {  	v18 =	vor.u32 v7, v16;
	v17 =	vld.idx.msk [tilespmem:v20+s15+$0x0], $0xffff  }
0x111: {  	v20 =	vor.u32 v8, v19;
	_ =	sdelay $0x3  }
0x112: {  	[tilespmem:v18+s25+$0x0] =	vst.idx.msk $0xffff, v17  }
0x113: {  	v18 =	vor.u32 v9, v16;
	v17 =	vld.idx.msk [tilespmem:v20+s15+$0x0], $0xffff  }
0x114: {  	v20 =	vor.u32 v10, v19;
	_ =	sdelay $0x3  }
0x115: {  	[tilespmem:v18+s25+$0x0] =	vst.idx.msk $0xffff, v17  }
0x116: {  	v18 =	vor.u32 v11, v16;
	v17 =	vld.idx.msk [tilespmem:v20+s15+$0x0], $0xffff  }
0x117: {  	v20 =	vor.u32 v12, v19;
	_ =	sdelay $0x3  }
0x118: {  	[tilespmem:v18+s25+$0x0] =	vst.idx.msk $0xffff, v17  }
0x119: {  	v18 =	vor.u32 v13, v16;
	v17 =	vld.idx.msk [tilespmem:v20+s15+$0x0], $0xffff  }
0x11a: {  	v19 =	vor.u32 v14, v19;
	_ =	sdelay $0x3  }
0x11b: {  	[tilespmem:v18+s25+$0x0] =	vst.idx.msk $0xffff, v17  }
0x11c: {  	v16 =	vor.u32 v15, v16;
	v17 =	vld.idx.msk [tilespmem:v19+s15+$0x0], $0xffff;
	_ =	sdelay $0x4  }
0x11d: {  	s0 =	sadd.s32 s5, s7;
	[tilespmem:v16+s25+$0x0] =	vst.idx.msk $0xffff, v17  }
0x11e: {  	[hbm4b:s0+s22] =	stream.strided.scatter [tilespmem:s25], [sflag:$0x6], $0x2000, s23, s22, $0x38;
	[tilespmem:$0x16400] =	vst v63  }
0x11f: {  	s1 =	simm.s32 $0x0;
	s0 =	simm.s32 @!p0 $0x6  }
0x120: {  	v16 =	vadd.s32 s1, v0;
	_ =	swait.ge @!p0 [sflag:s0], $0x2000  }
0x121: {  	s31 =	simm.s32 @!p0 $0x8400;
	v17 =	vand.u32 $0x3F, v16;
	[sflag:s0] =	ssyncset.done @!p0 $0x0  }
0x122: {  	s1 =	simm.s32 @!p0 $0x80;
	v18 =	vor.u32 v1, v17;
	[sflag:s0] =	ssyncadd.s32 @!p0 $0xFFFFE000;
	s0 =	sadd.s32 @!p0 $0x280, s13  }
0x123: {  	[tilespmem:s31], [sflag:$0x2] =	stream.indirect.gather @!p0 [hbm4b:s4+s1], $0x40, s0, s1, $0xb8;
	[tilespmem:$0x16400] =	vst v63  }
0x124: {  	_ =	swait.ge [sflag:s26], $0x2000  }
0x125: {  	v16 =	vshll.u32 v16, $0x7;
	[sflag:s26] =	ssyncset.done $0x0  }
0x126: {  	v16 =	vand.u32 $0x1F80, v16;
	[sflag:s26] =	ssyncadd.s32 $0xFFFFE000  }
0x127: {  	v19 =	vor.u32 v0, v16;
	v18 =	vld.idx.msk [tilespmem:v18+s17+$0x0], $0xffff  }
0x128: {  	v20 =	vor.u32 v2, v17;
	_ =	sdelay $0x3  }
0x129: {  	[tilespmem:v19+s28+$0x0] =	vst.idx.msk $0xffff, v18  }
0x12a: {  	v19 =	vor.u32 v3, v16;
	v18 =	vld.idx.msk [tilespmem:v20+s17+$0x0], $0xffff  }
0x12b: {  	v20 =	vor.u32 v4, v17;
	_ =	sdelay $0x3  }
0x12c: {  	[tilespmem:v19+s28+$0x0] =	vst.idx.msk $0xffff, v18  }
0x12d: {  	v19 =	vor.u32 v5, v16;
	v18 =	vld.idx.msk [tilespmem:v20+s17+$0x0], $0xffff  }
0x12e: {  	v20 =	vor.u32 v6, v17;
	_ =	sdelay $0x3  }
0x12f: {  	[tilespmem:v19+s28+$0x0] =	vst.idx.msk $0xffff, v18  }
0x130: {  	v19 =	vor.u32 v7, v16;
	v18 =	vld.idx.msk [tilespmem:v20+s17+$0x0], $0xffff  }
0x131: {  	v20 =	vor.u32 v8, v17;
	_ =	sdelay $0x3  }
0x132: {  	[tilespmem:v19+s28+$0x0] =	vst.idx.msk $0xffff, v18  }
0x133: {  	v19 =	vor.u32 v9, v16;
	v18 =	vld.idx.msk [tilespmem:v20+s17+$0x0], $0xffff  }
0x134: {  	v20 =	vor.u32 v10, v17;
	_ =	sdelay $0x3  }
0x135: {  	[tilespmem:v19+s28+$0x0] =	vst.idx.msk $0xffff, v18  }
0x136: {  	v19 =	vor.u32 v11, v16;
	v18 =	vld.idx.msk [tilespmem:v20+s17+$0x0], $0xffff  }
0x137: {  	v20 =	vor.u32 v12, v17;
	_ =	sdelay $0x3  }
0x138: {  	[tilespmem:v19+s28+$0x0] =	vst.idx.msk $0xffff, v18  }
0x139: {  	v19 =	vor.u32 v13, v16;
	v18 =	vld.idx.msk [tilespmem:v20+s17+$0x0], $0xffff  }
0x13a: {  	v20 =	vor.u32 v14, v17;
	_ =	sdelay $0x3  }
0x13b: {  	s1 =	simm.s32 $0x1;
	[tilespmem:v19+s28+$0x0] =	vst.idx.msk $0xffff, v18  }
0x13c: {  	s31 =	simm.s32 $0x2;
	v17 =	vadd.s32 s1, v0;
	v18 =	vld.idx.msk [tilespmem:v20+s17+$0x0], $0xffff  }
.LBB2_9:
0x13d: {  	p1 =	sne.s32 s31, $0x3F;
	v19 =	vand.u32 $0x3F, v17;
	v16 =	vor.u32 v15, v16  }
0x13e: {  	v20 =	vor.u32 v1, v19;
	_ =	sdelay $0x3  }
0x13f: {  	v17 =	vshll.u32 v17, $0x7;
	[tilespmem:v16+s28+$0x0] =	vst.idx.msk $0xffff, v18  }
0x140: {  	v16 =	vand.u32 $0x1F80, v17;
	v18 =	vld.idx.msk [tilespmem:v20+s17+$0x0], $0xffff  }
0x141: {  	v17 =	vor.u32 v0, v16  }
0x142: {  	v20 =	vor.u32 v2, v19;
	_ =	sdelay $0x3  }
0x143: {  	[tilespmem:v17+s28+$0x0] =	vst.idx.msk $0xffff, v18  }
0x144: {  	v17 =	vld.idx.msk [tilespmem:v20+s17+$0x0], $0xffff  }
0x145: {  	v18 =	vor.u32 v3, v16  }
0x146: {  	v20 =	vor.u32 v4, v19;
	_ =	sdelay $0x3  }
0x147: {  	[tilespmem:v18+s28+$0x0] =	vst.idx.msk $0xffff, v17  }
0x148: {  	v17 =	vld.idx.msk [tilespmem:v20+s17+$0x0], $0xffff  }
0x149: {  	v18 =	vor.u32 v5, v16  }
0x14a: {  	v20 =	vor.u32 v6, v19;
	_ =	sdelay $0x3  }
0x14b: {  	[tilespmem:v18+s28+$0x0] =	vst.idx.msk $0xffff, v17  }
0x14c: {  	v17 =	vld.idx.msk [tilespmem:v20+s17+$0x0], $0xffff  }
0x14d: {  	v18 =	vor.u32 v7, v16  }
0x14e: {  	v20 =	vor.u32 v8, v19;
	_ =	sdelay $0x3  }
0x14f: {  	[tilespmem:v18+s28+$0x0] =	vst.idx.msk $0xffff, v17  }
0x150: {  	v17 =	vld.idx.msk [tilespmem:v20+s17+$0x0], $0xffff  }
0x151: {  	v18 =	vor.u32 v9, v16  }
0x152: {  	v20 =	vor.u32 v10, v19;
	_ =	sdelay $0x3  }
0x153: {  	[tilespmem:v18+s28+$0x0] =	vst.idx.msk $0xffff, v17  }
0x154: {  	v17 =	vld.idx.msk [tilespmem:v20+s17+$0x0], $0xffff  }
0x155: {  	v18 =	vor.u32 v11, v16  }
0x156: {  	v20 =	vor.u32 v12, v19;
	_ =	sdelay $0x3  }
0x157: {  	[tilespmem:v18+s28+$0x0] =	vst.idx.msk $0xffff, v17  }
0x158: {  	v17 =	vld.idx.msk [tilespmem:v20+s17+$0x0], $0xffff  }
0x159: {  	v18 =	vor.u32 v13, v16  }
0x15a: {  	v19 =	vor.u32 v14, v19  }
.Ltmp5:
0x15b: {  	(pc) =	sbr.rel @p1 .LBB2_9-.Ltmp5, $3  }
0x15c: {  	_ =	sdelay $0x1  }
0x15d: {  	[tilespmem:v18+s28+$0x0] =	vst.idx.msk $0xffff, v17  }
0x15e: {  	v17 =	vadd.s32 s31, v0;
	s31 =	sadd.s32 $0x1, s31;
	v18 =	vld.idx.msk [tilespmem:v19+s17+$0x0], $0xffff  }
0x15f: {  	v19 =	vand.u32 $0x3F, v17;
	v16 =	vor.u32 v15, v16  }
0x160: {  	v20 =	vor.u32 v1, v19;
	_ =	sdelay $0x2  }
0x161: {  	v17 =	vshll.u32 v17, $0x7  }
0x162: {  	[tilespmem:v16+s28+$0x0] =	vst.idx.msk $0xffff, v18;
	v16 =	vand.u32 $0x1F80, v17  }
0x163: {  	v17 =	vld.idx.msk [tilespmem:v20+s17+$0x0], $0xffff;
	v18 =	vor.u32 v0, v16  }
0x164: {  	v20 =	vor.u32 v2, v19;
	_ =	sdelay $0x3  }
0x165: {  	[tilespmem:v18+s28+$0x0] =	vst.idx.msk $0xffff, v17  }
0x166: {  	v18 =	vor.u32 v3, v16;
	v17 =	vld.idx.msk [tilespmem:v20+s17+$0x0], $0xffff  }
0x167: {  	v20 =	vor.u32 v4, v19;
	_ =	sdelay $0x3  }
0x168: {  	[tilespmem:v18+s28+$0x0] =	vst.idx.msk $0xffff, v17  }
0x169: {  	v18 =	vor.u32 v5, v16;
	v17 =	vld.idx.msk [tilespmem:v20+s17+$0x0], $0xffff  }
0x16a: {  	v20 =	vor.u32 v6, v19;
	_ =	sdelay $0x3  }
0x16b: {  	[tilespmem:v18+s28+$0x0] =	vst.idx.msk $0xffff, v17  }
0x16c: {  	v18 =	vor.u32 v7, v16;
	v17 =	vld.idx.msk [tilespmem:v20+s17+$0x0], $0xffff  }
0x16d: {  	v20 =	vor.u32 v8, v19;
	_ =	sdelay $0x3  }
0x16e: {  	[tilespmem:v18+s28+$0x0] =	vst.idx.msk $0xffff, v17  }
0x16f: {  	v18 =	vor.u32 v9, v16;
	v17 =	vld.idx.msk [tilespmem:v20+s17+$0x0], $0xffff  }
0x170: {  	v20 =	vor.u32 v10, v19;
	_ =	sdelay $0x3  }
0x171: {  	[tilespmem:v18+s28+$0x0] =	vst.idx.msk $0xffff, v17  }
0x172: {  	v18 =	vor.u32 v11, v16;
	v17 =	vld.idx.msk [tilespmem:v20+s17+$0x0], $0xffff  }
0x173: {  	v20 =	vor.u32 v12, v19;
	_ =	sdelay $0x3  }
0x174: {  	[tilespmem:v18+s28+$0x0] =	vst.idx.msk $0xffff, v17  }
0x175: {  	v18 =	vor.u32 v13, v16;
	v17 =	vld.idx.msk [tilespmem:v20+s17+$0x0], $0xffff  }
0x176: {  	v19 =	vor.u32 v14, v19;
	_ =	sdelay $0x3  }
0x177: {  	[tilespmem:v18+s28+$0x0] =	vst.idx.msk $0xffff, v17  }
0x178: {  	v16 =	vor.u32 v15, v16;
	v17 =	vld.idx.msk [tilespmem:v19+s17+$0x0], $0xffff;
	_ =	sdelay $0x4  }
0x179: {  	s0 =	sadd.s32 s5, s8;
	[tilespmem:v16+s28+$0x0] =	vst.idx.msk $0xffff, v17  }
0x17a: {  	[hbm4b:s0+s22] =	stream.strided.scatter [tilespmem:s28], [sflag:$0x7], $0x2000, s23, s22, $0x38;
	[tilespmem:$0x16400] =	vst v63  }
0x17b: {  	s1 =	simm.s32 $0x0;
	s0 =	simm.s32 @!p0 $0x7  }
0x17c: {  	v16 =	vadd.s32 s1, v0;
	_ =	swait.ge @!p0 [sflag:s0], $0x2000  }
0x17d: {  	s1 =	simm.s32 @!p0 $0x80;
	v17 =	vand.u32 $0x3F, v16;
	[sflag:s0] =	ssyncset.done @!p0 $0x0  }
0x17e: {  	v18 =	vor.u32 v1, v17;
	[sflag:s0] =	ssyncadd.s32 @!p0 $0xFFFFE000;
	s0 =	sadd.s32 @!p0 $0x300, s13;
	s13 =	simm.s32 @!p0 $0xA400  }
0x17f: {  	[tilespmem:s13], [sflag:$0x3] =	stream.indirect.gather @!p0 [hbm4b:s4+s1], $0x40, s0, s1, $0xb8;
	[tilespmem:$0x16400] =	vst v63  }
0x180: {  	_ =	swait.ge [sflag:s29], $0x2000  }
0x181: {  	v16 =	vshll.u32 v16, $0x7;
	[sflag:s29] =	ssyncset.done $0x0  }
0x182: {  	v16 =	vand.u32 $0x1F80, v16;
	[sflag:s29] =	ssyncadd.s32 $0xFFFFE000  }
0x183: {  	v19 =	vor.u32 v0, v16;
	v18 =	vld.idx.msk [tilespmem:v18+s19+$0x0], $0xffff  }
0x184: {  	v20 =	vor.u32 v2, v17;
	_ =	sdelay $0x3  }
0x185: {  	[tilespmem:v19+s30+$0x0] =	vst.idx.msk $0xffff, v18  }
0x186: {  	v19 =	vor.u32 v3, v16;
	v18 =	vld.idx.msk [tilespmem:v20+s19+$0x0], $0xffff  }
0x187: {  	v20 =	vor.u32 v4, v17;
	_ =	sdelay $0x3  }
0x188: {  	[tilespmem:v19+s30+$0x0] =	vst.idx.msk $0xffff, v18  }
0x189: {  	v19 =	vor.u32 v5, v16;
	v18 =	vld.idx.msk [tilespmem:v20+s19+$0x0], $0xffff  }
0x18a: {  	v20 =	vor.u32 v6, v17;
	_ =	sdelay $0x3  }
0x18b: {  	[tilespmem:v19+s30+$0x0] =	vst.idx.msk $0xffff, v18  }
0x18c: {  	v19 =	vor.u32 v7, v16;
	v18 =	vld.idx.msk [tilespmem:v20+s19+$0x0], $0xffff  }
0x18d: {  	v20 =	vor.u32 v8, v17;
	_ =	sdelay $0x3  }
0x18e: {  	[tilespmem:v19+s30+$0x0] =	vst.idx.msk $0xffff, v18  }
0x18f: {  	v19 =	vor.u32 v9, v16;
	v18 =	vld.idx.msk [tilespmem:v20+s19+$0x0], $0xffff  }
0x190: {  	v20 =	vor.u32 v10, v17;
	_ =	sdelay $0x3  }
0x191: {  	[tilespmem:v19+s30+$0x0] =	vst.idx.msk $0xffff, v18  }
0x192: {  	v19 =	vor.u32 v11, v16;
	v18 =	vld.idx.msk [tilespmem:v20+s19+$0x0], $0xffff  }
0x193: {  	v20 =	vor.u32 v12, v17;
	_ =	sdelay $0x3  }
0x194: {  	[tilespmem:v19+s30+$0x0] =	vst.idx.msk $0xffff, v18  }
0x195: {  	v19 =	vor.u32 v13, v16;
	v18 =	vld.idx.msk [tilespmem:v20+s19+$0x0], $0xffff  }
0x196: {  	v20 =	vor.u32 v14, v17;
	_ =	sdelay $0x3  }
0x197: {  	s31 =	simm.s32 $0x1;
	[tilespmem:v19+s30+$0x0] =	vst.idx.msk $0xffff, v18  }
0x198: {  	s13 =	simm.s32 $0x2;
	v17 =	vadd.s32 s31, v0;
	v18 =	vld.idx.msk [tilespmem:v20+s19+$0x0], $0xffff  }
.LBB2_11:
0x199: {  	p1 =	sne.s32 s13, $0x3F;
	v19 =	vand.u32 $0x3F, v17;
	v16 =	vor.u32 v15, v16  }
0x19a: {  	v20 =	vor.u32 v1, v19;
	_ =	sdelay $0x3  }
0x19b: {  	v17 =	vshll.u32 v17, $0x7;
	[tilespmem:v16+s30+$0x0] =	vst.idx.msk $0xffff, v18  }
0x19c: {  	v16 =	vand.u32 $0x1F80, v17;
	v18 =	vld.idx.msk [tilespmem:v20+s19+$0x0], $0xffff  }
0x19d: {  	v17 =	vor.u32 v0, v16  }
0x19e: {  	v20 =	vor.u32 v2, v19;
	_ =	sdelay $0x3  }
0x19f: {  	[tilespmem:v17+s30+$0x0] =	vst.idx.msk $0xffff, v18  }
0x1a0: {  	v17 =	vld.idx.msk [tilespmem:v20+s19+$0x0], $0xffff  }
0x1a1: {  	v18 =	vor.u32 v3, v16  }
0x1a2: {  	v20 =	vor.u32 v4, v19;
	_ =	sdelay $0x3  }
0x1a3: {  	[tilespmem:v18+s30+$0x0] =	vst.idx.msk $0xffff, v17  }
0x1a4: {  	v17 =	vld.idx.msk [tilespmem:v20+s19+$0x0], $0xffff  }
0x1a5: {  	v18 =	vor.u32 v5, v16  }
0x1a6: {  	v20 =	vor.u32 v6, v19;
	_ =	sdelay $0x3  }
0x1a7: {  	[tilespmem:v18+s30+$0x0] =	vst.idx.msk $0xffff, v17  }
0x1a8: {  	v17 =	vld.idx.msk [tilespmem:v20+s19+$0x0], $0xffff  }
0x1a9: {  	v18 =	vor.u32 v7, v16  }
0x1aa: {  	v20 =	vor.u32 v8, v19;
	_ =	sdelay $0x3  }
0x1ab: {  	[tilespmem:v18+s30+$0x0] =	vst.idx.msk $0xffff, v17  }
0x1ac: {  	v17 =	vld.idx.msk [tilespmem:v20+s19+$0x0], $0xffff  }
0x1ad: {  	v18 =	vor.u32 v9, v16  }
0x1ae: {  	v20 =	vor.u32 v10, v19;
	_ =	sdelay $0x3  }
0x1af: {  	[tilespmem:v18+s30+$0x0] =	vst.idx.msk $0xffff, v17  }
0x1b0: {  	v17 =	vld.idx.msk [tilespmem:v20+s19+$0x0], $0xffff  }
0x1b1: {  	v18 =	vor.u32 v11, v16  }
0x1b2: {  	v20 =	vor.u32 v12, v19;
	_ =	sdelay $0x3  }
0x1b3: {  	[tilespmem:v18+s30+$0x0] =	vst.idx.msk $0xffff, v17  }
0x1b4: {  	v17 =	vld.idx.msk [tilespmem:v20+s19+$0x0], $0xffff  }
0x1b5: {  	v18 =	vor.u32 v13, v16  }
0x1b6: {  	v19 =	vor.u32 v14, v19  }
.Ltmp6:
0x1b7: {  	(pc) =	sbr.rel @p1 .LBB2_11-.Ltmp6, $3  }
0x1b8: {  	_ =	sdelay $0x1  }
0x1b9: {  	[tilespmem:v18+s30+$0x0] =	vst.idx.msk $0xffff, v17  }
0x1ba: {  	v17 =	vadd.s32 s13, v0;
	s13 =	sadd.s32 $0x1, s13;
	v18 =	vld.idx.msk [tilespmem:v19+s19+$0x0], $0xffff  }
0x1bb: {  	v19 =	vand.u32 $0x3F, v17;
	v16 =	vor.u32 v15, v16  }
0x1bc: {  	v20 =	vor.u32 v1, v19;
	_ =	sdelay $0x2  }
0x1bd: {  	v17 =	vshll.u32 v17, $0x7  }
0x1be: {  	[tilespmem:v16+s30+$0x0] =	vst.idx.msk $0xffff, v18;
	v16 =	vand.u32 $0x1F80, v17  }
0x1bf: {  	v17 =	vld.idx.msk [tilespmem:v20+s19+$0x0], $0xffff;
	v51 =	vor.u32 v0, v16  }
0x1c0: {  	v52 =	vor.u32 v2, v19;
	_ =	sdelay $0x3  }
0x1c1: {  	[tilespmem:v51+s30+$0x0] =	vst.idx.msk $0xffff, v17  }
0x1c2: {  	v53 =	vor.u32 v3, v16;
	v17 =	vld.idx.msk [tilespmem:v52+s19+$0x0], $0xffff  }
0x1c3: {  	v54 =	vor.u32 v4, v19;
	_ =	sdelay $0x3  }
0x1c4: {  	[tilespmem:v53+s30+$0x0] =	vst.idx.msk $0xffff, v17  }
0x1c5: {  	v55 =	vor.u32 v5, v16;
	v17 =	vld.idx.msk [tilespmem:v54+s19+$0x0], $0xffff  }
0x1c6: {  	v56 =	vor.u32 v6, v19;
	_ =	sdelay $0x3  }
0x1c7: {  	[tilespmem:v55+s30+$0x0] =	vst.idx.msk $0xffff, v17  }
0x1c8: {  	v57 =	vor.u32 v7, v16;
	v17 =	vld.idx.msk [tilespmem:v56+s19+$0x0], $0xffff  }
0x1c9: {  	v58 =	vor.u32 v8, v19;
	_ =	sdelay $0x3  }
0x1ca: {  	[tilespmem:v57+s30+$0x0] =	vst.idx.msk $0xffff, v17  }
0x1cb: {  	v59 =	vor.u32 v9, v16;
	v17 =	vld.idx.msk [tilespmem:v58+s19+$0x0], $0xffff  }
0x1cc: {  	v60 =	vor.u32 v10, v19;
	_ =	sdelay $0x3  }
0x1cd: {  	[tilespmem:v59+s30+$0x0] =	vst.idx.msk $0xffff, v17  }
0x1ce: {  	v61 =	vor.u32 v11, v16;
	v17 =	vld.idx.msk [tilespmem:v60+s19+$0x0], $0xffff  }
0x1cf: {  	v62 =	vor.u32 v12, v19;
	_ =	sdelay $0x3  }
0x1d0: {  	[tilespmem:v61+s30+$0x0] =	vst.idx.msk $0xffff, v17  }
0x1d1: {  	v63 =	vor.u32 v13, v16;
	v17 =	vld.idx.msk [tilespmem:v62+s19+$0x0], $0xffff  }
0x1d2: {  	v19 =	vor.u32 v14, v19;
	_ =	sdelay $0x3  }
0x1d3: {  	[tilespmem:v63+s30+$0x0] =	vst.idx.msk $0xffff, v17  }
0x1d4: {  	v16 =	vor.u32 v15, v16;
	v17 =	vld.idx.msk [tilespmem:v19+s19+$0x0], $0xffff;
	_ =	sdelay $0x1  }
.Ltmp7:
0x1d5: {  	_ = 	snop;
	(pc) =	sbr.rel @p0 .LBB2_14-.Ltmp7, $3  }
0x1d6: {  	_ =	sdelay $0x1  }
0x1d7: {  	s0 =	sadd.s32 s5, s9;
	[tilespmem:v16+s30+$0x0] =	vst.idx.msk $0xffff, v17  }
0x1d8: {  	[hbm4b:s0+s22] =	stream.strided.scatter [tilespmem:s30], [sflag:$0x8], $0x2000, s23, s22, $0x38;
	[tilespmem:$0x16400] =	vst v63  }
.Ltmp8:
0x1d9: {  	(pc) =	sbr.rel .LBB2_4-.Ltmp8, $4  }
0x1da: {  	_ =	swait.ge [sflag:s12], $0x2000  }
0x1db: {  	s0 =	sshrl.u32 s10, $0x2;
	[sflag:s12] =	ssyncset.done $0x0  }
0x1dc: {  	s3 =	sadd.s32 $0x1, s3;
	s0 =	sadd.s32 $0x380, s0;
	[sflag:s12] =	ssyncadd.s32 $0xFFFFE000  }
0x1dd: {  	[tilespmem:s19], [sflag:$0x4] =	stream.indirect.gather [hbm4b:s4+s11], $0x40, s0, s11, $0xb8;
	[tilespmem:$0x16400] =	vst v63  }
.LBB2_15:
0x1de: {  	_ =	sfence.sel $0x180000  }
0x1df: {  	[bflag:$0x0] =	sbarrier.arrive $0xFFFF  }
0x1e0: {  	_ =	strace $0x90000047  }
0x1e1: {  	s0 =	stileid.u32;
	[bflag:$0x2] =	sbarrier.arrive $0xFFFF  }
0x1e2: {  	p0 =	sne.s32 s0, $0x0;
	s0 =	rddreg [dreg:$0x2]  }
0x1e3: {  	s0 =	sadd.s32 @!p0 $0x100000, s0  }
0x1e4: {  	[sflag:s0] =	ssyncadd.tile.s32 @!p0 $0x1;
	_ =	shalt  }
.Lfunc_end2:
_tile_overlayer_lowered:
.L_overlay_start_2:
0x1e5: {  	(tag) =	ssettag $0x2  }
0x1e6: {  	s0 =	rddreg [dreg:$0x0];
	s2 =	stileid.u32  }
0x1e7: {  	s1 =	rddreg [dreg:$0x1];
	p0 =	sne.s32 s2, $0x0  }
0x1e8: {  	s3 =	rddreg [dreg:$0x2];
	[bflag:$0x3] =	sbarrier.arrive $0xFFFF;
	s2 =	simm.s32 @!p0 $0x1C09  }
0x1e9: {  	[timem:s3], [sflag:s2] =	dma.local @!p0 [hbm:s0], s1  }
0x1ea: {  	s0 =	simm.s32 @!p0 $0x9  }
0x1eb: {  	_ =	swait.ge @!p0 [sflag:s0], s1  }
0x1ec: {  	s1 =	ssub.s32 @!p0 $0x0, s1;
	[sflag:s0] =	ssyncset.done @!p0 $0x0  }
0x1ed: {  	[sflag:s0] =	ssyncadd.s32 @!p0 s1  }
0x1ee: {  	[bflag:$0x3] =	sbarrier.arrive $0xFFFF  }
0x1ef: {  	_ =	shalt  }

</sc_bundles>
